<compile_context>
chip_gen: v7x
topology: tpu7x:2x2x1
jax: 0.10.2.dev20260603
libtpu: 0.0.44.dev20260713+nightly
codegen_flags: <defaults>
</compile_context>

<pallas_src>
import functools

import jax
import jax.numpy as jnp
from jax import lax
from jax.experimental import pallas as pl
from jax.experimental.pallas import tpu as pltpu
from jax.experimental.pallas import tpu_sc as plsc

D = 1024
E = 8
H = 512
C = 1000
CP = 1024
T = 4096
K = 2

BT = 256
S = 2 * T + E * BT
NB = S // BT

NC = 2
NS = 16
NW = NC * NS
DTPW = T // NW
DCH = 16
CRPW = T // NW
CCH = 8
BR = 512



def _router_block(x_ref, Wg_ref, bg_ref, logits_ref, route_ref, counts_ref,
                  carry_ref):
    pid = pl.program_id(0)
    xb = x_ref[...]
    logits = xb @ Wg_ref[...] + bg_ref[...]
    logits_ref[...] = logits
    ei = jax.lax.broadcasted_iota(jnp.int32, logits.shape, 1)
    m0 = jnp.max(logits, axis=1, keepdims=True)
    i0 = jnp.min(jnp.where(logits == m0, ei, E), axis=1, keepdims=True)
    l2 = jnp.where(ei == i0, -jnp.inf, logits)
    m1 = jnp.max(l2, axis=1, keepdims=True)
    i1 = jnp.min(jnp.where(l2 == m1, ei, E), axis=1, keepdims=True)
    b = jnp.exp(m1 - m0)
    p0 = 1.0 / (1.0 + b)
    p1 = b / (1.0 + b)

    m0f = (ei == i0).astype(jnp.float32)
    m1f = (ei == i1).astype(jnp.float32)
    msum = m0f + m1f

    @pl.when(pid == 0)
    def _():
        carry_ref[...] = jnp.zeros_like(carry_ref)

    carry = carry_ref[0:1, :]
    ri = jax.lax.broadcasted_iota(jnp.int32, (BR, BR), 0)
    ci = jax.lax.broadcasted_iota(jnp.int32, (BR, BR), 1)
    tri = (ci < ri).astype(jnp.float32)
    pref = tri @ msum + carry
    rank0 = jnp.sum(pref * m0f, axis=1, keepdims=True)
    rank1 = jnp.sum((pref + m0f) * m1f, axis=1, keepdims=True)
    new_carry = carry + jnp.sum(msum, axis=0, keepdims=True)
    carry_ref[0:1, :] = new_carry
    counts_ref[...] = new_carry

    route = (jnp.where(ei == 0, i0.astype(jnp.float32), 0.0)
             + jnp.where(ei == 1, i1.astype(jnp.float32), 0.0)
             + jnp.where(ei == 2, p0, 0.0)
             + jnp.where(ei == 3, p1, 0.0)
             + jnp.where(ei == 4, rank0, 0.0)
             + jnp.where(ei == 5, rank1, 0.0))
    route_ref[...] = route


def _run_router(x, Wg, bg):
    return pl.pallas_call(
        _router_block,
        grid=(T // BR,),
        in_specs=[
            pl.BlockSpec((BR, D), lambda i: (i, 0)),
            pl.BlockSpec((D, E), lambda i: (0, 0)),
            pl.BlockSpec((1, E), lambda i: (0, 0)),
        ],
        out_specs=[
            pl.BlockSpec((BR, E), lambda i: (i, 0)),
            pl.BlockSpec((BR, E), lambda i: (i, 0)),
            pl.BlockSpec((1, E), lambda i: (0, 0)),
        ],
        out_shape=[
            jax.ShapeDtypeStruct((T, E), jnp.float32),
            jax.ShapeDtypeStruct((T, E), jnp.float32),
            jax.ShapeDtypeStruct((1, E), jnp.float32),
        ],
        scratch_shapes=[pltpu.VMEM((8, E), jnp.float32)],
    )(x, Wg, bg.reshape(1, E))



def _glue_block(route_ref, counts_ref, sl0_ref, sl1_ref, p0b_ref, p1b_ref,
                be_ref, nub_ref):
    counts = counts_ref[...]
    padded = jnp.ceil(counts * (1.0 / BT)) * float(BT)
    ri8 = jax.lax.broadcasted_iota(jnp.int32, (E, E), 0)
    ci8 = jax.lax.broadcasted_iota(jnp.int32, (E, E), 1)
    triu = (ri8 < ci8).astype(jnp.float32)
    poff = padded @ triu
    pc = poff + padded

    route = route_ref[...]
    i0 = route[:, 0:1]
    i1 = route[:, 1:2]
    p0 = route[:, 2:3]
    p1 = route[:, 3:4]
    rank0 = route[:, 4:5]
    rank1 = route[:, 5:6]
    ei = jax.lax.broadcasted_iota(
        jnp.int32, route.shape, 1).astype(jnp.float32)
    m0f = (ei == i0).astype(jnp.float32)
    m1f = (ei == i1).astype(jnp.float32)
    slot0 = jnp.sum(m0f * poff, axis=1, keepdims=True) + rank0
    slot1 = jnp.sum(m1f * poff, axis=1, keepdims=True) + rank1
    sl0_ref[...] = slot0.astype(jnp.int32)
    sl1_ref[...] = slot1.astype(jnp.int32)
    lane = jnp.zeros((1, 16), jnp.float32)
    p0b_ref[...] = p0 + lane
    p1b_ref[...] = p1 + lane

    bi = jax.lax.broadcasted_iota(
        jnp.int32, (NB, E), 0).astype(jnp.float32) * float(BT)
    bexp = jnp.sum((pc <= bi).astype(jnp.float32), axis=1, keepdims=True)
    be_ref[...] = jnp.minimum(bexp, float(E - 1)).astype(jnp.int32)
    nub_ref[...] = (jnp.sum(padded, axis=1, keepdims=True)
                    * (1.0 / BT)).astype(jnp.int32)


def _run_glue(route, countsf):
    return pl.pallas_call(
        _glue_block,
        grid=(T // BR,),
        in_specs=[
            pl.BlockSpec((BR, E), lambda i: (i, 0)),
            pl.BlockSpec((1, E), lambda i: (0, 0)),
        ],
        out_specs=[
            pl.BlockSpec((BR, 1), lambda i: (i, 0)),
            pl.BlockSpec((BR, 1), lambda i: (i, 0)),
            pl.BlockSpec((BR, 16), lambda i: (i, 0)),
            pl.BlockSpec((BR, 16), lambda i: (i, 0)),
            pl.BlockSpec((NB, 1), lambda i: (0, 0)),
            pl.BlockSpec((1, 1), lambda i: (0, 0)),
        ],
        out_shape=[
            jax.ShapeDtypeStruct((T, 1), jnp.int32),
            jax.ShapeDtypeStruct((T, 1), jnp.int32),
            jax.ShapeDtypeStruct((T, 16), jnp.float32),
            jax.ShapeDtypeStruct((T, 16), jnp.float32),
            jax.ShapeDtypeStruct((NB, 1), jnp.int32),
            jax.ShapeDtypeStruct((1, 1), jnp.int32),
        ],
    )(route, countsf)



@functools.lru_cache(maxsize=1)
def _make_sc_dispatch():
    mesh = plsc.VectorSubcoreMesh(core_axis_name="c", subcore_axis_name="s")
    nch = DTPW // DCH
    npair = nch // 2

    @functools.partial(
        pl.kernel,
        mesh=mesh,
        out_type=jax.ShapeDtypeStruct((S, D), jnp.float32),
        scratch_types=[
            pltpu.VMEM((nch, DCH), jnp.int32),
            pltpu.VMEM((nch, DCH), jnp.int32),
            pltpu.VMEM((DCH, D), jnp.float32),
            pltpu.VMEM((DCH, D), jnp.float32),
            pltpu.SemaphoreType.DMA,
            pltpu.SemaphoreType.DMA,
            pltpu.SemaphoreType.DMA,
            pltpu.SemaphoreType.DMA,
        ],
    )
    def _sc_dispatch(x_hbm, s0_hbm, s1_hbm, out_hbm, s0_v, s1_v, bufa, bufb,
                     sra, srb, swa, swb):
        wid = lax.axis_index("s") * NC + lax.axis_index("c")
        base = wid * DTPW
        pltpu.sync_copy(s0_hbm.at[wid], s0_v)
        pltpu.sync_copy(s1_hbm.at[wid], s1_v)

        def rd(c, buf, sem):
            pltpu.async_copy(x_hbm.at[pl.ds(base + c * DCH, DCH)], buf, sem)

        def wait_r(buf, sem):
            pltpu.make_async_copy(x_hbm.at[pl.ds(0, DCH)], buf, sem).wait()

        def wr(c, buf, iv, sem):
            pltpu.async_copy(buf, out_hbm.at[iv.at[c]], sem)

        def wait_w2(buf, sem):
            pltpu.make_async_copy(buf, out_hbm.at[pl.ds(0, DCH)], sem).wait()
            pltpu.make_async_copy(buf, out_hbm.at[pl.ds(0, DCH)], sem).wait()

        rd(0, bufa, sra)
        rd(1, bufb, srb)

        def body(i, carry):
            c0 = 2 * i
            wait_r(bufa, sra)
            wr(c0, bufa, s0_v, swa)
            wr(c0, bufa, s1_v, swa)
            wait_r(bufb, srb)
            wr(c0 + 1, bufb, s0_v, swb)
            wr(c0 + 1, bufb, s1_v, swb)

            @pl.when(i + 1 < npair)
            def _():
                wait_w2(bufa, swa)
                rd(c0 + 2, bufa, sra)
                wait_w2(bufb, swb)
                rd(c0 + 3, bufb, srb)

            @pl.when(i + 1 == npair)
            def _():
                wait_w2(bufa, swa)
                wait_w2(bufb, swb)
            return carry

        lax.fori_loop(0, npair, body, 0)

    return _sc_dispatch



def _ffn_block(be_ref, nub_ref, xs_ref, W1_ref, b1_ref, g_ref, bt_ref,
               W2_ref, b2_ref, out_ref):
    @pl.when(pl.program_id(0) < nub_ref[0])
    def _():
        xb = xs_ref[...]
        h = xb @ W1_ref[0] + b1_ref[0]
        mu = jnp.mean(h, axis=-1, keepdims=True)
        var = jnp.mean((h - mu) ** 2, axis=-1, keepdims=True)
        hn = (h - mu) / jnp.sqrt(var + 1e-5) * g_ref[0] + bt_ref[0]
        a = 0.5 * hn * (1.0 + jax.lax.erf(hn * 0.7071067811865476))
        o = a @ W2_ref[0] + b2_ref[0]
        out_ref[...] = jnp.concatenate(
            [o, jnp.zeros((o.shape[0], CP - C), o.dtype)], axis=1)


def _run_ffn(x_sorted, W1, b1, gamma, beta, W2, b2, blk_expert, nub):
    grid_spec = pltpu.PrefetchScalarGridSpec(
        num_scalar_prefetch=2,
        grid=(NB,),
        in_specs=[
            pl.BlockSpec((BT, D), lambda i, be, nb: (i, 0)),
            pl.BlockSpec((1, D, H), lambda i, be, nb: (be[i], 0, 0)),
            pl.BlockSpec((1, 1, H), lambda i, be, nb: (be[i], 0, 0)),
            pl.BlockSpec((1, 1, H), lambda i, be, nb: (be[i], 0, 0)),
            pl.BlockSpec((1, 1, H), lambda i, be, nb: (be[i], 0, 0)),
            pl.BlockSpec((1, H, C), lambda i, be, nb: (be[i], 0, 0)),
            pl.BlockSpec((1, 1, C), lambda i, be, nb: (be[i], 0, 0)),
        ],
        out_specs=pl.BlockSpec((BT, CP), lambda i, be, nb: (i, 0)),
    )
    return pl.pallas_call(
        _ffn_block,
        grid_spec=grid_spec,
        out_shape=jax.ShapeDtypeStruct((S, CP), jnp.float32),
    )(blk_expert, nub, x_sorted, W1, b1.reshape(E, 1, H),
      gamma.reshape(E, 1, H), beta.reshape(E, 1, H), W2,
      b2.reshape(E, 1, C))



@functools.lru_cache(maxsize=1)
def _make_sc_combine():
    mesh = plsc.VectorSubcoreMesh(core_axis_name="c", subcore_axis_name="s")
    nch = CRPW // CCH
    npair = nch // 2
    nvec = CP // 16

    @functools.partial(
        pl.kernel,
        mesh=mesh,
        out_type=jax.ShapeDtypeStruct((T, CP), jnp.float32),
        scratch_types=[
            pltpu.VMEM((CRPW,), jnp.int32),
            pltpu.VMEM((CRPW,), jnp.int32),
            pltpu.VMEM((CRPW, 16), jnp.float32),
            pltpu.VMEM((CRPW, 16), jnp.float32),
            pltpu.VMEM((CCH, CP), jnp.float32),
            pltpu.VMEM((CCH, CP), jnp.float32),
            pltpu.VMEM((CCH, CP), jnp.float32),
            pltpu.VMEM((CCH, CP), jnp.float32),
            pltpu.VMEM((CCH, CP), jnp.float32),
            pltpu.VMEM((CCH, CP), jnp.float32),
            pltpu.SemaphoreType.DMA,
            pltpu.SemaphoreType.DMA,
            pltpu.SemaphoreType.DMA,
            pltpu.SemaphoreType.DMA,
            pltpu.SemaphoreType.DMA,
            pltpu.SemaphoreType.DMA,
        ],
    )
    def _sc_combine(os_hbm, s0_hbm, s1_hbm, p0_hbm, p1_hbm, out_hbm,
                    i0_v, i1_v, p0_v, p1_v,
                    a0, b0, o0, a1, b1, o1,
                    sg0a, sg0b, sg1a, sg1b, sw0, sw1):
        wid = lax.axis_index("s") * NC + lax.axis_index("c")
        base = wid * CRPW
        pltpu.sync_copy(s0_hbm.at[pl.ds(base, CRPW)], i0_v)
        pltpu.sync_copy(s1_hbm.at[pl.ds(base, CRPW)], i1_v)
        pltpu.sync_copy(p0_hbm.at[pl.ds(base, CRPW)], p0_v)
        pltpu.sync_copy(p1_hbm.at[pl.ds(base, CRPW)], p1_v)

        def gath(c, iv, buf, sem):
            pltpu.async_copy(os_hbm.at[iv.at[pl.ds(c * CCH, CCH)]],
                             buf, sem)

        def wait_g(buf, sem):
            pltpu.make_async_copy(os_hbm.at[i0_v.at[pl.ds(0, CCH)]],
                                  buf, sem).wait()

        def wout(c, buf, sem):
            pltpu.async_copy(buf, out_hbm.at[pl.ds(base + c * CCH, CCH)],
                             sem)

        def wait_w(buf, sem):
            pltpu.make_async_copy(buf, out_hbm.at[pl.ds(0, CCH)], sem).wait()

        def addbuf(c, av, bv, ov):
            def add_row(r, c2):
                t = c * CCH + r
                pa = p0_v[t, :]
                pb = p1_v[t, :]

                def add_vec(v, c3):
                    sl = pl.ds(v * 16, 16)
                    ov[r, sl] = av[r, sl] * pa + bv[r, sl] * pb
                    return c3
                return lax.fori_loop(0, nvec, add_vec, c2)
            lax.fori_loop(0, CCH, add_row, 0)

        gath(0, i0_v, a0, sg0a)
        gath(0, i1_v, b0, sg0b)
        gath(1, i0_v, a1, sg1a)
        gath(1, i1_v, b1, sg1b)

        def body(i, carry):
            c0 = 2 * i

            wait_g(a0, sg0a)
            wait_g(b0, sg0b)

            @pl.when(i > 0)
            def _():
                wait_w(o0, sw0)
            addbuf(c0, a0, b0, o0)
            wout(c0, o0, sw0)

            @pl.when(i + 1 < npair)
            def _():
                gath(c0 + 2, i0_v, a0, sg0a)
                gath(c0 + 2, i1_v, b0, sg0b)

            wait_g(a1, sg1a)
            wait_g(b1, sg1b)

            @pl.when(i > 0)
            def _():
                wait_w(o1, sw1)
            addbuf(c0 + 1, a1, b1, o1)
            wout(c0 + 1, o1, sw1)

            @pl.when(i + 1 < npair)
            def _():
                gath(c0 + 3, i0_v, a1, sg1a)
                gath(c0 + 3, i1_v, b1, sg1b)
            return carry

        lax.fori_loop(0, npair, body, 0)
        wait_w(o0, sw0)
        wait_w(o1, sw1)

    return _sc_combine



@jax.jit
def kernel(x, Wg, bg, W1, b1, gamma, beta, W2, b2):
    logits, route, countsf = _run_router(x, Wg, bg)
    sl0, sl1, p0b, p1b, be2, nub2 = _run_glue(route, countsf)

    s3 = (NW, DTPW // DCH, DCH)
    x_sorted = _make_sc_dispatch()(x, sl0.reshape(s3), sl1.reshape(s3))
    out_sorted = _run_ffn(x_sorted, W1, b1, gamma, beta, W2, b2,
                          be2.reshape(NB), nub2.reshape(1))
    outp = _make_sc_combine()(out_sorted, sl0.reshape(T), sl1.reshape(T),
                              p0b, p1b)
    return (outp[:, :C], logits)

# --- scband reference (transcript-rebuilt; emitter-appended) ---
"""Pipeline reference for scband-mo-eclassifier-61675730370568 (READ-ONLY COPY).

The authoritative reference and input builder live on the scoring server;
editing this copy changes nothing except your own understanding.
"""

import jax, jax.numpy as jnp
import numpy as np

D = 1024   # input_dim (d_model)
E = 8      # num_experts
K = 2      # top_k
H = 512    # expert_hidden_dim
C = 1000   # num_classes
T = 4096   # tokens = batch(2) * seq_len(2048)


def setup_inputs(seed: int = 0) -> dict:
    key = jax.random.key(seed)
    ks = jax.random.split(key, 6)
    x = jax.random.normal(ks[0], (T, D), dtype=jnp.float32)
    # router gate (nn.Linear(D, E))
    Wg = jax.random.normal(ks[1], (D, E), dtype=jnp.float32) * (1.0 / np.sqrt(D))
    bg = jnp.zeros((E,), dtype=jnp.float32)
    # per-expert FFN params, stacked on leading expert dim
    W1 = jax.random.normal(ks[2], (E, D, H), dtype=jnp.float32) * (1.0 / np.sqrt(D))
    b1 = jnp.zeros((E, H), dtype=jnp.float32)
    gamma = jnp.ones((E, H), dtype=jnp.float32)
    beta = jnp.zeros((E, H), dtype=jnp.float32)
    W2 = jax.random.normal(ks[3], (E, H, C), dtype=jnp.float32) * (1.0 / np.sqrt(H))
    b2 = jnp.zeros((E, C), dtype=jnp.float32)
    return {"x": x, "Wg": Wg, "bg": bg, "W1": W1, "b1": b1,
            "gamma": gamma, "beta": beta, "W2": W2, "b2": b2}


def _expert(x, W1e, b1e, ge, be, W2e, b2e):
    # Linear -> LayerNorm -> GELU -> (Dropout: identity in eval) -> Linear
    h = x @ W1e + b1e
    mu = jnp.mean(h, axis=-1, keepdims=True)
    var = jnp.mean((h - mu) ** 2, axis=-1, keepdims=True)
    hn = (h - mu) / jnp.sqrt(var + 1e-5) * ge + be
    a = jax.nn.gelu(hn, approximate=False)
    return a @ W2e + b2e


def reference(x, Wg, bg, W1, b1, gamma, beta, W2, b2):
    # TopKRouter
    logits = x @ Wg + bg
    top_k_vals, top_k_indices = jax.lax.top_k(logits, K)
    router_probs = jax.nn.softmax(top_k_vals, axis=1)
    Tn = x.shape[0]
    # Combine gate weights into a dense [T, E] weight matrix via scatter-add.
    # This reproduces: final[mask] += gate_weight[mask] * expert(x[mask]) for each k.
    w = jnp.zeros((Tn, E), dtype=jnp.float32)
    rows = jnp.arange(Tn)
    for k in range(K):
        w = w.at[rows, top_k_indices[:, k]].add(router_probs[:, k])
    final = jnp.zeros((Tn, C), dtype=jnp.float32)
    for e in range(E):
        out = _expert(x, W1[e], b1[e], gamma[e], beta[e], W2[e], b2[e])
        final = final + w[:, e:e + 1] * out
    return (final, logits)

if __name__ == "__main__":
    import jax
    _d = setup_inputs()
    print(jax.jit(kernel)(*tuple(_d.values())))

</pallas_src>

<mosaic_0001>
#map = affine_map<(d0, d1) -> (0, 0)>
#map1 = affine_map<(d0, d1) -> (0, 0, 0)>
module attributes {stable_mosaic.version = 14 : i64} {
  func.func @_sc_dispatch(%arg0: i32, %arg1: i32, %arg2: memref<4096x1024xf32, #tpu.memory_space<hbm>>, %arg3: memref<32x8x16xi32, #tpu.memory_space<hbm>>, %arg4: memref<32x8x16xi32, #tpu.memory_space<hbm>>, %arg5: memref<10240x1024xf32, #tpu.memory_space<hbm>>, %arg6: memref<8x16xi32, #tpu.memory_space<vmem>>, %arg7: memref<8x16xi32, #tpu.memory_space<vmem>>, %arg8: memref<16x1024xf32, #tpu.memory_space<vmem>>, %arg9: memref<16x1024xf32, #tpu.memory_space<vmem>>, %arg10: memref<!tpu.dma_semaphore, #tpu.memory_space<semaphore_mem>>, %arg11: memref<!tpu.dma_semaphore, #tpu.memory_space<semaphore_mem>>, %arg12: memref<!tpu.dma_semaphore, #tpu.memory_space<semaphore_mem>>, %arg13: memref<!tpu.dma_semaphore, #tpu.memory_space<semaphore_mem>>) attributes {dimension_semantics = [#tpu.dimension_semantics<core_parallel>, #tpu.dimension_semantics<subcore_parallel>], iteration_bounds = array<i64: 2, 16>, scalar_prefetch = 0 : i64, scratch_operands = 8 : i64, tpu.core_type = #tpu.core_type<sc_vector_subcore>, window_params = [{transform_indices = #map}, {transform_indices = #map1}, {transform_indices = #map1}, {transform_indices = #map}]} {
    %mul3A = arith.constant 2 : i32
    %mul3A_0 = arith.muli %arg1, %mul3A : i32
    %add3A = arith.addi %mul3A_0, %arg0 : i32
    %mul3A_1 = arith.constant 128 : i32
    %mul3A_2 = arith.muli %add3A, %mul3A_1 : i32
    "tpu.region"() ({
      %run_scoped3A = tpu.sem_alloc : memref<!tpu.dma_semaphore, #tpu.memory_space<semaphore_mem>>
      %dma_start3A_19 = arith.constant 0 : i32
      %dma_start3A_20 = arith.constant 0 : i32
      %dma_start3A_21 = tpu.memref_slice %arg3[%add3A, %dma_start3A_19, %dma_start3A_20] : memref<32x8x16xi32, #tpu.memory_space<hbm>> -> memref<1x8x16xi32, #tpu.memory_space<hbm>>
      %dma_start3A_22 = tpu.memref_squeeze %dma_start3A_21 : memref<1x8x16xi32, #tpu.memory_space<hbm>> -> memref<8x16xi32, #tpu.memory_space<hbm>>
      %dma_start3A_23 = arith.constant 0 : i32
      %dma_start3A_24 = arith.constant 0 : i32
      %dma_start3A_25 = tpu.memref_slice %arg3[%add3A, %dma_start3A_23, %dma_start3A_24] : memref<32x8x16xi32, #tpu.memory_space<hbm>> -> memref<1x8x16xi32, #tpu.memory_space<hbm>>
      %dma_start3A_26 = tpu.memref_squeeze %dma_start3A_25 : memref<1x8x16xi32, #tpu.memory_space<hbm>> -> memref<8x16xi32, #tpu.memory_space<hbm>>
      tpu.enqueue_dma source(%dma_start3A_26 : memref<8x16xi32, #tpu.memory_space<hbm>>) target(%arg6 : memref<8x16xi32, #tpu.memory_space<vmem>>) target_semaphore(%run_scoped3A : memref<!tpu.dma_semaphore, #tpu.memory_space<semaphore_mem>>)
      %dma_wait3A = arith.constant 0 : i32
      %dma_wait3A_27 = arith.constant 0 : i32
      %dma_wait3A_28 = tpu.memref_slice %arg3[%add3A, %dma_wait3A, %dma_wait3A_27] : memref<32x8x16xi32, #tpu.memory_space<hbm>> -> memref<1x8x16xi32, #tpu.memory_space<hbm>>
      %dma_wait3A_29 = tpu.memref_squeeze %dma_wait3A_28 : memref<1x8x16xi32, #tpu.memory_space<hbm>> -> memref<8x16xi32, #tpu.memory_space<hbm>>
      %dma_wait3A_30 = arith.constant 0 : i32
      %dma_wait3A_31 = arith.constant 0 : i32
      %dma_wait3A_32 = tpu.memref_slice %arg3[%add3A, %dma_wait3A_30, %dma_wait3A_31] : memref<32x8x16xi32, #tpu.memory_space<hbm>> -> memref<1x8x16xi32, #tpu.memory_space<hbm>>
      %dma_wait3A_33 = tpu.memref_squeeze %dma_wait3A_32 : memref<1x8x16xi32, #tpu.memory_space<hbm>> -> memref<8x16xi32, #tpu.memory_space<hbm>>
      tpu.wait_dma2 semaphore(%run_scoped3A : memref<!tpu.dma_semaphore, #tpu.memory_space<semaphore_mem>>) src(%dma_wait3A_33 : memref<8x16xi32, #tpu.memory_space<hbm>>) dst(%arg6 : memref<8x16xi32, #tpu.memory_space<vmem>>)
      tpu.yield
    }) : () -> ()
    "tpu.region"() ({
      %run_scoped3A = tpu.sem_alloc : memref<!tpu.dma_semaphore, #tpu.memory_space<semaphore_mem>>
      %dma_start3A_19 = arith.constant 0 : i32
      %dma_start3A_20 = arith.constant 0 : i32
      %dma_start3A_21 = tpu.memref_slice %arg4[%add3A, %dma_start3A_19, %dma_start3A_20] : memref<32x8x16xi32, #tpu.memory_space<hbm>> -> memref<1x8x16xi32, #tpu.memory_space<hbm>>
      %dma_start3A_22 = tpu.memref_squeeze %dma_start3A_21 : memref<1x8x16xi32, #tpu.memory_space<hbm>> -> memref<8x16xi32, #tpu.memory_space<hbm>>
      %dma_start3A_23 = arith.constant 0 : i32
      %dma_start3A_24 = arith.constant 0 : i32
      %dma_start3A_25 = tpu.memref_slice %arg4[%add3A, %dma_start3A_23, %dma_start3A_24] : memref<32x8x16xi32, #tpu.memory_space<hbm>> -> memref<1x8x16xi32, #tpu.memory_space<hbm>>
      %dma_start3A_26 = tpu.memref_squeeze %dma_start3A_25 : memref<1x8x16xi32, #tpu.memory_space<hbm>> -> memref<8x16xi32, #tpu.memory_space<hbm>>
      tpu.enqueue_dma source(%dma_start3A_26 : memref<8x16xi32, #tpu.memory_space<hbm>>) target(%arg7 : memref<8x16xi32, #tpu.memory_space<vmem>>) target_semaphore(%run_scoped3A : memref<!tpu.dma_semaphore, #tpu.memory_space<semaphore_mem>>)
      %dma_wait3A = arith.constant 0 : i32
      %dma_wait3A_27 = arith.constant 0 : i32
      %dma_wait3A_28 = tpu.memref_slice %arg4[%add3A, %dma_wait3A, %dma_wait3A_27] : memref<32x8x16xi32, #tpu.memory_space<hbm>> -> memref<1x8x16xi32, #tpu.memory_space<hbm>>
      %dma_wait3A_29 = tpu.memref_squeeze %dma_wait3A_28 : memref<1x8x16xi32, #tpu.memory_space<hbm>> -> memref<8x16xi32, #tpu.memory_space<hbm>>
      %dma_wait3A_30 = arith.constant 0 : i32
      %dma_wait3A_31 = arith.constant 0 : i32
      %dma_wait3A_32 = tpu.memref_slice %arg4[%add3A, %dma_wait3A_30, %dma_wait3A_31] : memref<32x8x16xi32, #tpu.memory_space<hbm>> -> memref<1x8x16xi32, #tpu.memory_space<hbm>>
      %dma_wait3A_33 = tpu.memref_squeeze %dma_wait3A_32 : memref<1x8x16xi32, #tpu.memory_space<hbm>> -> memref<8x16xi32, #tpu.memory_space<hbm>>
      tpu.wait_dma2 semaphore(%run_scoped3A : memref<!tpu.dma_semaphore, #tpu.memory_space<semaphore_mem>>) src(%dma_wait3A_33 : memref<8x16xi32, #tpu.memory_space<hbm>>) dst(%arg7 : memref<8x16xi32, #tpu.memory_space<vmem>>)
      tpu.yield
    }) : () -> ()
    %add3A_3 = arith.constant 0 : i32
    %add3A_4 = arith.addi %mul3A_2, %add3A_3 : i32
    %dma_start3A = arith.constant 0 : i32
    %dma_start3A_5 = tpu.memref_slice %arg2[%add3A_4, %dma_start3A] : memref<4096x1024xf32, #tpu.memory_space<hbm>> -> memref<16x1024xf32, #tpu.memory_space<hbm>>
    %dma_start3A_6 = arith.constant 0 : i32
    %dma_start3A_7 = tpu.memref_slice %arg2[%add3A_4, %dma_start3A_6] : memref<4096x1024xf32, #tpu.memory_space<hbm>> -> memref<16x1024xf32, #tpu.memory_space<hbm>>
    tpu.enqueue_dma source(%dma_start3A_7 : memref<16x1024xf32, #tpu.memory_space<hbm>>) target(%arg8 : memref<16x1024xf32, #tpu.memory_space<vmem>>) target_semaphore(%arg10 : memref<!tpu.dma_semaphore, #tpu.memory_space<semaphore_mem>>)
    %add3A_8 = arith.constant 16 : i32
    %add3A_9 = arith.addi %mul3A_2, %add3A_8 : i32
    %dma_start3A_10 = arith.constant 0 : i32
    %dma_start3A_11 = tpu.memref_slice %arg2[%add3A_9, %dma_start3A_10] : memref<4096x1024xf32, #tpu.memory_space<hbm>> -> memref<16x1024xf32, #tpu.memory_space<hbm>>
    %dma_start3A_12 = arith.constant 0 : i32
    %dma_start3A_13 = tpu.memref_slice %arg2[%add3A_9, %dma_start3A_12] : memref<4096x1024xf32, #tpu.memory_space<hbm>> -> memref<16x1024xf32, #tpu.memory_space<hbm>>
    tpu.enqueue_dma source(%dma_start3A_13 : memref<16x1024xf32, #tpu.memory_space<hbm>>) target(%arg9 : memref<16x1024xf32, #tpu.memory_space<vmem>>) target_semaphore(%arg11 : memref<!tpu.dma_semaphore, #tpu.memory_space<semaphore_mem>>)
    %scan3A = arith.constant 0 : i32
    %scan3A_14 = arith.constant 0 : i32
    %scan3A_15 = arith.constant 4 : i32
    %scan3A_16 = arith.addi %scan3A_14, %scan3A_15 : i32
    %scan3A_17 = arith.constant 1 : i32
    scf.for %scan3A_19 = %scan3A_14 to %scan3A_16 step %scan3A_17  : i32 {
      %mul3A_20 = arith.constant 2 : i32
      %mul3A_21 = arith.muli %mul3A_20, %scan3A_19 : i32
      %dma_wait3A = arith.constant 0 : i32
      %dma_wait3A_22 = arith.constant 0 : i32
      %dma_wait3A_23 = tpu.memref_slice %arg2[%dma_wait3A, %dma_wait3A_22] : memref<4096x1024xf32, #tpu.memory_space<hbm>> -> memref<16x1024xf32, #tpu.memory_space<hbm>>
      %dma_wait3A_24 = arith.constant 0 : i32
      %dma_wait3A_25 = arith.constant 0 : i32
      %dma_wait3A_26 = tpu.memref_slice %arg2[%dma_wait3A_24, %dma_wait3A_25] : memref<4096x1024xf32, #tpu.memory_space<hbm>> -> memref<16x1024xf32, #tpu.memory_space<hbm>>
      tpu.wait_dma2 semaphore(%arg10 : memref<!tpu.dma_semaphore, #tpu.memory_space<semaphore_mem>>) src(%dma_wait3A_26 : memref<16x1024xf32, #tpu.memory_space<hbm>>) dst(%arg8 : memref<16x1024xf32, #tpu.memory_space<vmem>>)
      %dma_start3A_27 = arith.constant 0 : i32
      %dma_start3A_28 = tpu.memref_slice %arg6[%mul3A_21, %dma_start3A_27] : memref<8x16xi32, #tpu.memory_space<vmem>> -> memref<1x16xi32, #tpu.memory_space<vmem>>
      %dma_start3A_29 = tpu.memref_squeeze %dma_start3A_28 : memref<1x16xi32, #tpu.memory_space<vmem>> -> memref<16xi32, #tpu.memory_space<vmem>>
      %dma_start3A_30 = arith.constant 0 : i32
      %dma_start3A_31 = arith.constant 0 : i32
      %dma_start3A_32 = tpu.memref_slice %arg5[%dma_start3A_30, %dma_start3A_31] : memref<10240x1024xf32, #tpu.memory_space<hbm>> -> memref<10240x1024xf32, #tpu.memory_space<hbm>>
      tpu.enqueue_indirect_dma source(%arg8 : memref<16x1024xf32, #tpu.memory_space<vmem>>) target(%dma_start3A_32 : memref<10240x1024xf32, #tpu.memory_space<hbm>>) offsets(%dma_start3A_29 : memref<16xi32, #tpu.memory_space<vmem>>) semaphore(%arg12 : memref<!tpu.dma_semaphore, #tpu.memory_space<semaphore_mem>>)
      %dma_start3A_33 = arith.constant 0 : i32
      %dma_start3A_34 = tpu.memref_slice %arg7[%mul3A_21, %dma_start3A_33] : memref<8x16xi32, #tpu.memory_space<vmem>> -> memref<1x16xi32, #tpu.memory_space<vmem>>
      %dma_start3A_35 = tpu.memref_squeeze %dma_start3A_34 : memref<1x16xi32, #tpu.memory_space<vmem>> -> memref<16xi32, #tpu.memory_space<vmem>>
      %dma_start3A_36 = arith.constant 0 : i32
      %dma_start3A_37 = arith.constant 0 : i32
      %dma_start3A_38 = tpu.memref_slice %arg5[%dma_start3A_36, %dma_start3A_37] : memref<10240x1024xf32, #tpu.memory_space<hbm>> -> memref<10240x1024xf32, #tpu.memory_space<hbm>>
      tpu.enqueue_indirect_dma source(%arg8 : memref<16x1024xf32, #tpu.memory_space<vmem>>) target(%dma_start3A_38 : memref<10240x1024xf32, #tpu.memory_space<hbm>>) offsets(%dma_start3A_35 : memref<16xi32, #tpu.memory_space<vmem>>) semaphore(%arg12 : memref<!tpu.dma_semaphore, #tpu.memory_space<semaphore_mem>>)
      %dma_wait3A_39 = arith.constant 0 : i32
      %dma_wait3A_40 = arith.constant 0 : i32
      %dma_wait3A_41 = tpu.memref_slice %arg2[%dma_wait3A_39, %dma_wait3A_40] : memref<4096x1024xf32, #tpu.memory_space<hbm>> -> memref<16x1024xf32, #tpu.memory_space<hbm>>
      %dma_wait3A_42 = arith.constant 0 : i32
      %dma_wait3A_43 = arith.constant 0 : i32
      %dma_wait3A_44 = tpu.memref_slice %arg2[%dma_wait3A_42, %dma_wait3A_43] : memref<4096x1024xf32, #tpu.memory_space<hbm>> -> memref<16x1024xf32, #tpu.memory_space<hbm>>
      tpu.wait_dma2 semaphore(%arg11 : memref<!tpu.dma_semaphore, #tpu.memory_space<semaphore_mem>>) src(%dma_wait3A_44 : memref<16x1024xf32, #tpu.memory_space<hbm>>) dst(%arg9 : memref<16x1024xf32, #tpu.memory_space<vmem>>)
      %add3A_45 = arith.constant 1 : i32
      %add3A_46 = arith.addi %mul3A_21, %add3A_45 : i32
      %dma_start3A_47 = arith.constant 0 : i32
      %dma_start3A_48 = tpu.memref_slice %arg6[%add3A_46, %dma_start3A_47] : memref<8x16xi32, #tpu.memory_space<vmem>> -> memref<1x16xi32, #tpu.memory_space<vmem>>
      %dma_start3A_49 = tpu.memref_squeeze %dma_start3A_48 : memref<1x16xi32, #tpu.memory_space<vmem>> -> memref<16xi32, #tpu.memory_space<vmem>>
      %dma_start3A_50 = arith.constant 0 : i32
      %dma_start3A_51 = arith.constant 0 : i32
      %dma_start3A_52 = tpu.memref_slice %arg5[%dma_start3A_50, %dma_start3A_51] : memref<10240x1024xf32, #tpu.memory_space<hbm>> -> memref<10240x1024xf32, #tpu.memory_space<hbm>>
      tpu.enqueue_indirect_dma source(%arg9 : memref<16x1024xf32, #tpu.memory_space<vmem>>) target(%dma_start3A_52 : memref<10240x1024xf32, #tpu.memory_space<hbm>>) offsets(%dma_start3A_49 : memref<16xi32, #tpu.memory_space<vmem>>) semaphore(%arg13 : memref<!tpu.dma_semaphore, #tpu.memory_space<semaphore_mem>>)
      %add3A_53 = arith.constant 1 : i32
      %add3A_54 = arith.addi %mul3A_21, %add3A_53 : i32
      %dma_start3A_55 = arith.constant 0 : i32
      %dma_start3A_56 = tpu.memref_slice %arg7[%add3A_54, %dma_start3A_55] : memref<8x16xi32, #tpu.memory_space<vmem>> -> memref<1x16xi32, #tpu.memory_space<vmem>>
      %dma_start3A_57 = tpu.memref_squeeze %dma_start3A_56 : memref<1x16xi32, #tpu.memory_space<vmem>> -> memref<16xi32, #tpu.memory_space<vmem>>
      %dma_start3A_58 = arith.constant 0 : i32
      %dma_start3A_59 = arith.constant 0 : i32
      %dma_start3A_60 = tpu.memref_slice %arg5[%dma_start3A_58, %dma_start3A_59] : memref<10240x1024xf32, #tpu.memory_space<hbm>> -> memref<10240x1024xf32, #tpu.memory_space<hbm>>
      tpu.enqueue_indirect_dma source(%arg9 : memref<16x1024xf32, #tpu.memory_space<vmem>>) target(%dma_start3A_60 : memref<10240x1024xf32, #tpu.memory_space<hbm>>) offsets(%dma_start3A_57 : memref<16xi32, #tpu.memory_space<vmem>>) semaphore(%arg13 : memref<!tpu.dma_semaphore, #tpu.memory_space<semaphore_mem>>)
      %add3A_61 = arith.constant 1 : i32
      %add3A_62 = arith.addi %scan3A_19, %add3A_61 : i32
      %lt3A = arith.constant 4 : i32
      %lt3A_63 = arith.cmpi slt, %add3A_62, %lt3A : i32
      %convert_element_type3A = arith.extui %lt3A_63 : i1 to i32
      %cond3A = arith.constant 0 : i32
      %cond3A_64 = arith.cmpi ne, %convert_element_type3A, %cond3A : i32
      scf.if %cond3A_64 {
        %dma_wait3A_71 = arith.constant 0 : i32
        %dma_wait3A_72 = arith.constant 0 : i32
        %dma_wait3A_73 = tpu.memref_slice %arg5[%dma_wait3A_71, %dma_wait3A_72] : memref<10240x1024xf32, #tpu.memory_space<hbm>> -> memref<16x1024xf32, #tpu.memory_space<hbm>>
        %dma_wait3A_74 = arith.constant 0 : i32
        %dma_wait3A_75 = arith.constant 0 : i32
        %dma_wait3A_76 = tpu.memref_slice %arg5[%dma_wait3A_74, %dma_wait3A_75] : memref<10240x1024xf32, #tpu.memory_space<hbm>> -> memref<16x1024xf32, #tpu.memory_space<hbm>>
        tpu.wait_dma2 semaphore(%arg12 : memref<!tpu.dma_semaphore, #tpu.memory_space<semaphore_mem>>) src(%arg8 : memref<16x1024xf32, #tpu.memory_space<vmem>>) dst(%dma_wait3A_76 : memref<16x1024xf32, #tpu.memory_space<hbm>>)
        %dma_wait3A_77 = arith.constant 0 : i32
        %dma_wait3A_78 = arith.constant 0 : i32
        %dma_wait3A_79 = tpu.memref_slice %arg5[%dma_wait3A_77, %dma_wait3A_78] : memref<10240x1024xf32, #tpu.memory_space<hbm>> -> memref<16x1024xf32, #tpu.memory_space<hbm>>
        %dma_wait3A_80 = arith.constant 0 : i32
        %dma_wait3A_81 = arith.constant 0 : i32
        %dma_wait3A_82 = tpu.memref_slice %arg5[%dma_wait3A_80, %dma_wait3A_81] : memref<10240x1024xf32, #tpu.memory_space<hbm>> -> memref<16x1024xf32, #tpu.memory_space<hbm>>
        tpu.wait_dma2 semaphore(%arg12 : memref<!tpu.dma_semaphore, #tpu.memory_space<semaphore_mem>>) src(%arg8 : memref<16x1024xf32, #tpu.memory_space<vmem>>) dst(%dma_wait3A_82 : memref<16x1024xf32, #tpu.memory_space<hbm>>)
        %add3A_83 = arith.constant 2 : i32
        %add3A_84 = arith.addi %mul3A_21, %add3A_83 : i32
        %mul3A_85 = arith.constant 16 : i32
        %mul3A_86 = arith.muli %add3A_84, %mul3A_85 : i32
        %add3A_87 = arith.addi %mul3A_2, %mul3A_86 : i32
        %dma_start3A_88 = arith.constant 0 : i32
        %dma_start3A_89 = tpu.memref_slice %arg2[%add3A_87, %dma_start3A_88] : memref<4096x1024xf32, #tpu.memory_space<hbm>> -> memref<16x1024xf32, #tpu.memory_space<hbm>>
        %dma_start3A_90 = arith.constant 0 : i32
        %dma_start3A_91 = tpu.memref_slice %arg2[%add3A_87, %dma_start3A_90] : memref<4096x1024xf32, #tpu.memory_space<hbm>> -> memref<16x1024xf32, #tpu.memory_space<hbm>>
        tpu.enqueue_dma source(%dma_start3A_91 : memref<16x1024xf32, #tpu.memory_space<hbm>>) target(%arg8 : memref<16x1024xf32, #tpu.memory_space<vmem>>) target_semaphore(%arg10 : memref<!tpu.dma_semaphore, #tpu.memory_space<semaphore_mem>>)
        %dma_wait3A_92 = arith.constant 0 : i32
        %dma_wait3A_93 = arith.constant 0 : i32
        %dma_wait3A_94 = tpu.memref_slice %arg5[%dma_wait3A_92, %dma_wait3A_93] : memref<10240x1024xf32, #tpu.memory_space<hbm>> -> memref<16x1024xf32, #tpu.memory_space<hbm>>
        %dma_wait3A_95 = arith.constant 0 : i32
        %dma_wait3A_96 = arith.constant 0 : i32
        %dma_wait3A_97 = tpu.memref_slice %arg5[%dma_wait3A_95, %dma_wait3A_96] : memref<10240x1024xf32, #tpu.memory_space<hbm>> -> memref<16x1024xf32, #tpu.memory_space<hbm>>
        tpu.wait_dma2 semaphore(%arg13 : memref<!tpu.dma_semaphore, #tpu.memory_space<semaphore_mem>>) src(%arg9 : memref<16x1024xf32, #tpu.memory_space<vmem>>) dst(%dma_wait3A_97 : memref<16x1024xf32, #tpu.memory_space<hbm>>)
        %dma_wait3A_98 = arith.constant 0 : i32
        %dma_wait3A_99 = arith.constant 0 : i32
        %dma_wait3A_100 = tpu.memref_slice %arg5[%dma_wait3A_98, %dma_wait3A_99] : memref<10240x1024xf32, #tpu.memory_space<hbm>> -> memref<16x1024xf32, #tpu.memory_space<hbm>>
        %dma_wait3A_101 = arith.constant 0 : i32
        %dma_wait3A_102 = arith.constant 0 : i32
        %dma_wait3A_103 = tpu.memref_slice %arg5[%dma_wait3A_101, %dma_wait3A_102] : memref<10240x1024xf32, #tpu.memory_space<hbm>> -> memref<16x1024xf32, #tpu.memory_space<hbm>>
        tpu.wait_dma2 semaphore(%arg13 : memref<!tpu.dma_semaphore, #tpu.memory_space<semaphore_mem>>) src(%arg9 : memref<16x1024xf32, #tpu.memory_space<vmem>>) dst(%dma_wait3A_103 : memref<16x1024xf32, #tpu.memory_space<hbm>>)
        %add3A_104 = arith.constant 3 : i32
        %add3A_105 = arith.addi %mul3A_21, %add3A_104 : i32
        %mul3A_106 = arith.constant 16 : i32
        %mul3A_107 = arith.muli %add3A_105, %mul3A_106 : i32
        %add3A_108 = arith.addi %mul3A_2, %mul3A_107 : i32
        %dma_start3A_109 = arith.constant 0 : i32
        %dma_start3A_110 = tpu.memref_slice %arg2[%add3A_108, %dma_start3A_109] : memref<4096x1024xf32, #tpu.memory_space<hbm>> -> memref<16x1024xf32, #tpu.memory_space<hbm>>
        %dma_start3A_111 = arith.constant 0 : i32
        %dma_start3A_112 = tpu.memref_slice %arg2[%add3A_108, %dma_start3A_111] : memref<4096x1024xf32, #tpu.memory_space<hbm>> -> memref<16x1024xf32, #tpu.memory_space<hbm>>
        tpu.enqueue_dma source(%dma_start3A_112 : memref<16x1024xf32, #tpu.memory_space<hbm>>) target(%arg9 : memref<16x1024xf32, #tpu.memory_space<vmem>>) target_semaphore(%arg11 : memref<!tpu.dma_semaphore, #tpu.memory_space<semaphore_mem>>)
      } else {
      }
      %add3A_65 = arith.constant 1 : i32
      %add3A_66 = arith.addi %scan3A_19, %add3A_65 : i32
      %eq3A = arith.constant 4 : i32
      %eq3A_67 = arith.cmpi eq, %add3A_66, %eq3A : i32
      %convert_element_type3A_68 = arith.extui %eq3A_67 : i1 to i32
      %cond3A_69 = arith.constant 0 : i32
      %cond3A_70 = arith.cmpi ne, %convert_element_type3A_68, %cond3A_69 : i32
      scf.if %cond3A_70 {
        %dma_wait3A_71 = arith.constant 0 : i32
        %dma_wait3A_72 = arith.constant 0 : i32
        %dma_wait3A_73 = tpu.memref_slice %arg5[%dma_wait3A_71, %dma_wait3A_72] : memref<10240x1024xf32, #tpu.memory_space<hbm>> -> memref<16x1024xf32, #tpu.memory_space<hbm>>
        %dma_wait3A_74 = arith.constant 0 : i32
        %dma_wait3A_75 = arith.constant 0 : i32
        %dma_wait3A_76 = tpu.memref_slice %arg5[%dma_wait3A_74, %dma_wait3A_75] : memref<10240x1024xf32, #tpu.memory_space<hbm>> -> memref<16x1024xf32, #tpu.memory_space<hbm>>
        tpu.wait_dma2 semaphore(%arg12 : memref<!tpu.dma_semaphore, #tpu.memory_space<semaphore_mem>>) src(%arg8 : memref<16x1024xf32, #tpu.memory_space<vmem>>) dst(%dma_wait3A_76 : memref<16x1024xf32, #tpu.memory_space<hbm>>)
        %dma_wait3A_77 = arith.constant 0 : i32
        %dma_wait3A_78 = arith.constant 0 : i32
        %dma_wait3A_79 = tpu.memref_slice %arg5[%dma_wait3A_77, %dma_wait3A_78] : memref<10240x1024xf32, #tpu.memory_space<hbm>> -> memref<16x1024xf32, #tpu.memory_space<hbm>>
        %dma_wait3A_80 = arith.constant 0 : i32
        %dma_wait3A_81 = arith.constant 0 : i32
        %dma_wait3A_82 = tpu.memref_slice %arg5[%dma_wait3A_80, %dma_wait3A_81] : memref<10240x1024xf32, #tpu.memory_space<hbm>> -> memref<16x1024xf32, #tpu.memory_space<hbm>>
        tpu.wait_dma2 semaphore(%arg12 : memref<!tpu.dma_semaphore, #tpu.memory_space<semaphore_mem>>) src(%arg8 : memref<16x1024xf32, #tpu.memory_space<vmem>>) dst(%dma_wait3A_82 : memref<16x1024xf32, #tpu.memory_space<hbm>>)
        %dma_wait3A_83 = arith.constant 0 : i32
        %dma_wait3A_84 = arith.constant 0 : i32
        %dma_wait3A_85 = tpu.memref_slice %arg5[%dma_wait3A_83, %dma_wait3A_84] : memref<10240x1024xf32, #tpu.memory_space<hbm>> -> memref<16x1024xf32, #tpu.memory_space<hbm>>
        %dma_wait3A_86 = arith.constant 0 : i32
        %dma_wait3A_87 = arith.constant 0 : i32
        %dma_wait3A_88 = tpu.memref_slice %arg5[%dma_wait3A_86, %dma_wait3A_87] : memref<10240x1024xf32, #tpu.memory_space<hbm>> -> memref<16x1024xf32, #tpu.memory_space<hbm>>
        tpu.wait_dma2 semaphore(%arg13 : memref<!tpu.dma_semaphore, #tpu.memory_space<semaphore_mem>>) src(%arg9 : memref<16x1024xf32, #tpu.memory_space<vmem>>) dst(%dma_wait3A_88 : memref<16x1024xf32, #tpu.memory_space<hbm>>)
        %dma_wait3A_89 = arith.constant 0 : i32
        %dma_wait3A_90 = arith.constant 0 : i32
        %dma_wait3A_91 = tpu.memref_slice %arg5[%dma_wait3A_89, %dma_wait3A_90] : memref<10240x1024xf32, #tpu.memory_space<hbm>> -> memref<16x1024xf32, #tpu.memory_space<hbm>>
        %dma_wait3A_92 = arith.constant 0 : i32
        %dma_wait3A_93 = arith.constant 0 : i32
        %dma_wait3A_94 = tpu.memref_slice %arg5[%dma_wait3A_92, %dma_wait3A_93] : memref<10240x1024xf32, #tpu.memory_space<hbm>> -> memref<16x1024xf32, #tpu.memory_space<hbm>>
        tpu.wait_dma2 semaphore(%arg13 : memref<!tpu.dma_semaphore, #tpu.memory_space<semaphore_mem>>) src(%arg9 : memref<16x1024xf32, #tpu.memory_space<vmem>>) dst(%dma_wait3A_94 : memref<16x1024xf32, #tpu.memory_space<hbm>>)
      } else {
      }
    }
    %scan3A_18 = arith.constant 4 : i32
    return
  }
}

#map = affine_map<(d0, d1) -> (0, 0)>
#map1 = affine_map<(d0, d1) -> (0)>
module attributes {stable_mosaic.version = 14 : i64} {
  func.func @_sc_combine(%arg0: i32, %arg1: i32, %arg2: memref<10240x1024xf32, #tpu.memory_space<hbm>>, %arg3: memref<4096xi32, #tpu.memory_space<hbm>>, %arg4: memref<4096xi32, #tpu.memory_space<hbm>>, %arg5: memref<4096x16xf32, #tpu.memory_space<hbm>>, %arg6: memref<4096x16xf32, #tpu.memory_space<hbm>>, %arg7: memref<4096x1024xf32, #tpu.memory_space<hbm>>, %arg8: memref<128xi32, #tpu.memory_space<vmem>>, %arg9: memref<128xi32, #tpu.memory_space<vmem>>, %arg10: memref<128x16xf32, #tpu.memory_space<vmem>>, %arg11: memref<128x16xf32, #tpu.memory_space<vmem>>, %arg12: memref<8x1024xf32, #tpu.memory_space<vmem>>, %arg13: memref<8x1024xf32, #tpu.memory_space<vmem>>, %arg14: memref<8x1024xf32, #tpu.memory_space<vmem>>, %arg15: memref<8x1024xf32, #tpu.memory_space<vmem>>, %arg16: memref<8x1024xf32, #tpu.memory_space<vmem>>, %arg17: memref<8x1024xf32, #tpu.memory_space<vmem>>, %arg18: memref<!tpu.dma_semaphore, #tpu.memory_space<semaphore_mem>>, %arg19: memref<!tpu.dma_semaphore, #tpu.memory_space<semaphore_mem>>, %arg20: memref<!tpu.dma_semaphore, #tpu.memory_space<semaphore_mem>>, %arg21: memref<!tpu.dma_semaphore, #tpu.memory_space<semaphore_mem>>, %arg22: memref<!tpu.dma_semaphore, #tpu.memory_space<semaphore_mem>>, %arg23: memref<!tpu.dma_semaphore, #tpu.memory_space<semaphore_mem>>) attributes {dimension_semantics = [#tpu.dimension_semantics<core_parallel>, #tpu.dimension_semantics<subcore_parallel>], iteration_bounds = array<i64: 2, 16>, scalar_prefetch = 0 : i64, scratch_operands = 16 : i64, tpu.core_type = #tpu.core_type<sc_vector_subcore>, window_params = [{transform_indices = #map}, {transform_indices = #map1}, {transform_indices = #map1}, {transform_indices = #map}, {transform_indices = #map}, {transform_indices = #map}]} {
    %mul3A = arith.constant 2 : i32
    %mul3A_0 = arith.muli %arg1, %mul3A : i32
    %add3A = arith.addi %mul3A_0, %arg0 : i32
    %mul3A_1 = arith.constant 128 : i32
    %mul3A_2 = arith.muli %add3A, %mul3A_1 : i32
    "tpu.region"() ({
      %run_scoped3A = tpu.sem_alloc : memref<!tpu.dma_semaphore, #tpu.memory_space<semaphore_mem>>
      %dma_start3A_38 = tpu.memref_slice %arg3[%mul3A_2] : memref<4096xi32, #tpu.memory_space<hbm>> -> memref<128xi32, #tpu.memory_space<hbm>>
      %dma_start3A_39 = tpu.memref_slice %arg3[%mul3A_2] : memref<4096xi32, #tpu.memory_space<hbm>> -> memref<128xi32, #tpu.memory_space<hbm>>
      tpu.enqueue_dma source(%dma_start3A_39 : memref<128xi32, #tpu.memory_space<hbm>>) target(%arg8 : memref<128xi32, #tpu.memory_space<vmem>>) target_semaphore(%run_scoped3A : memref<!tpu.dma_semaphore, #tpu.memory_space<semaphore_mem>>)
      %dma_wait3A_40 = tpu.memref_slice %arg3[%mul3A_2] : memref<4096xi32, #tpu.memory_space<hbm>> -> memref<128xi32, #tpu.memory_space<hbm>>
      %dma_wait3A_41 = tpu.memref_slice %arg3[%mul3A_2] : memref<4096xi32, #tpu.memory_space<hbm>> -> memref<128xi32, #tpu.memory_space<hbm>>
      tpu.wait_dma2 semaphore(%run_scoped3A : memref<!tpu.dma_semaphore, #tpu.memory_space<semaphore_mem>>) src(%dma_wait3A_41 : memref<128xi32, #tpu.memory_space<hbm>>) dst(%arg8 : memref<128xi32, #tpu.memory_space<vmem>>)
      tpu.yield
    }) : () -> ()
    "tpu.region"() ({
      %run_scoped3A = tpu.sem_alloc : memref<!tpu.dma_semaphore, #tpu.memory_space<semaphore_mem>>
      %dma_start3A_38 = tpu.memref_slice %arg4[%mul3A_2] : memref<4096xi32, #tpu.memory_space<hbm>> -> memref<128xi32, #tpu.memory_space<hbm>>
      %dma_start3A_39 = tpu.memref_slice %arg4[%mul3A_2] : memref<4096xi32, #tpu.memory_space<hbm>> -> memref<128xi32, #tpu.memory_space<hbm>>
      tpu.enqueue_dma source(%dma_start3A_39 : memref<128xi32, #tpu.memory_space<hbm>>) target(%arg9 : memref<128xi32, #tpu.memory_space<vmem>>) target_semaphore(%run_scoped3A : memref<!tpu.dma_semaphore, #tpu.memory_space<semaphore_mem>>)
      %dma_wait3A_40 = tpu.memref_slice %arg4[%mul3A_2] : memref<4096xi32, #tpu.memory_space<hbm>> -> memref<128xi32, #tpu.memory_space<hbm>>
      %dma_wait3A_41 = tpu.memref_slice %arg4[%mul3A_2] : memref<4096xi32, #tpu.memory_space<hbm>> -> memref<128xi32, #tpu.memory_space<hbm>>
      tpu.wait_dma2 semaphore(%run_scoped3A : memref<!tpu.dma_semaphore, #tpu.memory_space<semaphore_mem>>) src(%dma_wait3A_41 : memref<128xi32, #tpu.memory_space<hbm>>) dst(%arg9 : memref<128xi32, #tpu.memory_space<vmem>>)
      tpu.yield
    }) : () -> ()
    "tpu.region"() ({
      %run_scoped3A = tpu.sem_alloc : memref<!tpu.dma_semaphore, #tpu.memory_space<semaphore_mem>>
      %dma_start3A_38 = arith.constant 0 : i32
      %dma_start3A_39 = tpu.memref_slice %arg5[%mul3A_2, %dma_start3A_38] : memref<4096x16xf32, #tpu.memory_space<hbm>> -> memref<128x16xf32, #tpu.memory_space<hbm>>
      %dma_start3A_40 = arith.constant 0 : i32
      %dma_start3A_41 = tpu.memref_slice %arg5[%mul3A_2, %dma_start3A_40] : memref<4096x16xf32, #tpu.memory_space<hbm>> -> memref<128x16xf32, #tpu.memory_space<hbm>>
      tpu.enqueue_dma source(%dma_start3A_41 : memref<128x16xf32, #tpu.memory_space<hbm>>) target(%arg10 : memref<128x16xf32, #tpu.memory_space<vmem>>) target_semaphore(%run_scoped3A : memref<!tpu.dma_semaphore, #tpu.memory_space<semaphore_mem>>)
      %dma_wait3A_42 = arith.constant 0 : i32
      %dma_wait3A_43 = tpu.memref_slice %arg5[%mul3A_2, %dma_wait3A_42] : memref<4096x16xf32, #tpu.memory_space<hbm>> -> memref<128x16xf32, #tpu.memory_space<hbm>>
      %dma_wait3A_44 = arith.constant 0 : i32
      %dma_wait3A_45 = tpu.memref_slice %arg5[%mul3A_2, %dma_wait3A_44] : memref<4096x16xf32, #tpu.memory_space<hbm>> -> memref<128x16xf32, #tpu.memory_space<hbm>>
      tpu.wait_dma2 semaphore(%run_scoped3A : memref<!tpu.dma_semaphore, #tpu.memory_space<semaphore_mem>>) src(%dma_wait3A_45 : memref<128x16xf32, #tpu.memory_space<hbm>>) dst(%arg10 : memref<128x16xf32, #tpu.memory_space<vmem>>)
      tpu.yield
    }) : () -> ()
    "tpu.region"() ({
      %run_scoped3A = tpu.sem_alloc : memref<!tpu.dma_semaphore, #tpu.memory_space<semaphore_mem>>
      %dma_start3A_38 = arith.constant 0 : i32
      %dma_start3A_39 = tpu.memref_slice %arg6[%mul3A_2, %dma_start3A_38] : memref<4096x16xf32, #tpu.memory_space<hbm>> -> memref<128x16xf32, #tpu.memory_space<hbm>>
      %dma_start3A_40 = arith.constant 0 : i32
      %dma_start3A_41 = tpu.memref_slice %arg6[%mul3A_2, %dma_start3A_40] : memref<4096x16xf32, #tpu.memory_space<hbm>> -> memref<128x16xf32, #tpu.memory_space<hbm>>
      tpu.enqueue_dma source(%dma_start3A_41 : memref<128x16xf32, #tpu.memory_space<hbm>>) target(%arg11 : memref<128x16xf32, #tpu.memory_space<vmem>>) target_semaphore(%run_scoped3A : memref<!tpu.dma_semaphore, #tpu.memory_space<semaphore_mem>>)
      %dma_wait3A_42 = arith.constant 0 : i32
      %dma_wait3A_43 = tpu.memref_slice %arg6[%mul3A_2, %dma_wait3A_42] : memref<4096x16xf32, #tpu.memory_space<hbm>> -> memref<128x16xf32, #tpu.memory_space<hbm>>
      %dma_wait3A_44 = arith.constant 0 : i32
      %dma_wait3A_45 = tpu.memref_slice %arg6[%mul3A_2, %dma_wait3A_44] : memref<4096x16xf32, #tpu.memory_space<hbm>> -> memref<128x16xf32, #tpu.memory_space<hbm>>
      tpu.wait_dma2 semaphore(%run_scoped3A : memref<!tpu.dma_semaphore, #tpu.memory_space<semaphore_mem>>) src(%dma_wait3A_45 : memref<128x16xf32, #tpu.memory_space<hbm>>) dst(%arg11 : memref<128x16xf32, #tpu.memory_space<vmem>>)
      tpu.yield
    }) : () -> ()
    %dma_start3A = arith.constant 0 : i32
    %dma_start3A_3 = tpu.memref_slice %arg8[%dma_start3A] : memref<128xi32, #tpu.memory_space<vmem>> -> memref<8xi32, #tpu.memory_space<vmem>>
    %dma_start3A_4 = arith.constant 0 : i32
    %dma_start3A_5 = arith.constant 0 : i32
    %dma_start3A_6 = tpu.memref_slice %arg2[%dma_start3A_4, %dma_start3A_5] : memref<10240x1024xf32, #tpu.memory_space<hbm>> -> memref<10240x1024xf32, #tpu.memory_space<hbm>>
    tpu.enqueue_indirect_dma source(%dma_start3A_6 : memref<10240x1024xf32, #tpu.memory_space<hbm>>) target(%arg12 : memref<8x1024xf32, #tpu.memory_space<vmem>>) offsets(%dma_start3A_3 : memref<8xi32, #tpu.memory_space<vmem>>) semaphore(%arg18 : memref<!tpu.dma_semaphore, #tpu.memory_space<semaphore_mem>>)
    %dma_start3A_7 = arith.constant 0 : i32
    %dma_start3A_8 = tpu.memref_slice %arg9[%dma_start3A_7] : memref<128xi32, #tpu.memory_space<vmem>> -> memref<8xi32, #tpu.memory_space<vmem>>
    %dma_start3A_9 = arith.constant 0 : i32
    %dma_start3A_10 = arith.constant 0 : i32
    %dma_start3A_11 = tpu.memref_slice %arg2[%dma_start3A_9, %dma_start3A_10] : memref<10240x1024xf32, #tpu.memory_space<hbm>> -> memref<10240x1024xf32, #tpu.memory_space<hbm>>
    tpu.enqueue_indirect_dma source(%dma_start3A_11 : memref<10240x1024xf32, #tpu.memory_space<hbm>>) target(%arg13 : memref<8x1024xf32, #tpu.memory_space<vmem>>) offsets(%dma_start3A_8 : memref<8xi32, #tpu.memory_space<vmem>>) semaphore(%arg19 : memref<!tpu.dma_semaphore, #tpu.memory_space<semaphore_mem>>)
    %dma_start3A_12 = arith.constant 8 : i32
    %dma_start3A_13 = tpu.memref_slice %arg8[%dma_start3A_12] : memref<128xi32, #tpu.memory_space<vmem>> -> memref<8xi32, #tpu.memory_space<vmem>>
    %dma_start3A_14 = arith.constant 0 : i32
    %dma_start3A_15 = arith.constant 0 : i32
    %dma_start3A_16 = tpu.memref_slice %arg2[%dma_start3A_14, %dma_start3A_15] : memref<10240x1024xf32, #tpu.memory_space<hbm>> -> memref<10240x1024xf32, #tpu.memory_space<hbm>>
    tpu.enqueue_indirect_dma source(%dma_start3A_16 : memref<10240x1024xf32, #tpu.memory_space<hbm>>) target(%arg15 : memref<8x1024xf32, #tpu.memory_space<vmem>>) offsets(%dma_start3A_13 : memref<8xi32, #tpu.memory_space<vmem>>) semaphore(%arg20 : memref<!tpu.dma_semaphore, #tpu.memory_space<semaphore_mem>>)
    %dma_start3A_17 = arith.constant 8 : i32
    %dma_start3A_18 = tpu.memref_slice %arg9[%dma_start3A_17] : memref<128xi32, #tpu.memory_space<vmem>> -> memref<8xi32, #tpu.memory_space<vmem>>
    %dma_start3A_19 = arith.constant 0 : i32
    %dma_start3A_20 = arith.constant 0 : i32
    %dma_start3A_21 = tpu.memref_slice %arg2[%dma_start3A_19, %dma_start3A_20] : memref<10240x1024xf32, #tpu.memory_space<hbm>> -> memref<10240x1024xf32, #tpu.memory_space<hbm>>
    tpu.enqueue_indirect_dma source(%dma_start3A_21 : memref<10240x1024xf32, #tpu.memory_space<hbm>>) target(%arg16 : memref<8x1024xf32, #tpu.memory_space<vmem>>) offsets(%dma_start3A_18 : memref<8xi32, #tpu.memory_space<vmem>>) semaphore(%arg21 : memref<!tpu.dma_semaphore, #tpu.memory_space<semaphore_mem>>)
    %scan3A = arith.constant 0 : i32
    %scan3A_22 = arith.constant 0 : i32
    %scan3A_23 = arith.constant 8 : i32
    %scan3A_24 = arith.addi %scan3A_22, %scan3A_23 : i32
    %scan3A_25 = arith.constant 1 : i32
    scf.for %scan3A_38 = %scan3A_22 to %scan3A_24 step %scan3A_25  : i32 {
      %mul3A_39 = arith.constant 2 : i32
      %mul3A_40 = arith.muli %mul3A_39, %scan3A_38 : i32
      %dma_wait3A_41 = arith.constant 0 : i32
      %dma_wait3A_42 = tpu.memref_slice %arg8[%dma_wait3A_41] : memref<128xi32, #tpu.memory_space<vmem>> -> memref<8xi32, #tpu.memory_space<vmem>>
      %dma_wait3A_43 = arith.constant 0 : i32
      %dma_wait3A_44 = arith.constant 0 : i32
      %dma_wait3A_45 = tpu.memref_slice %arg2[%dma_wait3A_43, %dma_wait3A_44] : memref<10240x1024xf32, #tpu.memory_space<hbm>> -> memref<10240x1024xf32, #tpu.memory_space<hbm>>
      tpu.wait_indirect_dma semaphore(%arg18 : memref<!tpu.dma_semaphore, #tpu.memory_space<semaphore_mem>>) src(%dma_wait3A_45 : memref<10240x1024xf32, #tpu.memory_space<hbm>>) dst(%arg12 : memref<8x1024xf32, #tpu.memory_space<vmem>>)
      %dma_wait3A_46 = arith.constant 0 : i32
      %dma_wait3A_47 = tpu.memref_slice %arg8[%dma_wait3A_46] : memref<128xi32, #tpu.memory_space<vmem>> -> memref<8xi32, #tpu.memory_space<vmem>>
      %dma_wait3A_48 = arith.constant 0 : i32
      %dma_wait3A_49 = arith.constant 0 : i32
      %dma_wait3A_50 = tpu.memref_slice %arg2[%dma_wait3A_48, %dma_wait3A_49] : memref<10240x1024xf32, #tpu.memory_space<hbm>> -> memref<10240x1024xf32, #tpu.memory_space<hbm>>
      tpu.wait_indirect_dma semaphore(%arg19 : memref<!tpu.dma_semaphore, #tpu.memory_space<semaphore_mem>>) src(%dma_wait3A_50 : memref<10240x1024xf32, #tpu.memory_space<hbm>>) dst(%arg13 : memref<8x1024xf32, #tpu.memory_space<vmem>>)
      %gt3A = arith.constant 0 : i32
      %gt3A_51 = arith.cmpi sgt, %scan3A_38, %gt3A : i32
      %convert_element_type3A = arith.extui %gt3A_51 : i1 to i32
      %cond3A = arith.constant 0 : i32
      %cond3A_52 = arith.cmpi ne, %convert_element_type3A, %cond3A : i32
      scf.if %cond3A_52 {
        %dma_wait3A_111 = arith.constant 0 : i32
        %dma_wait3A_112 = arith.constant 0 : i32
        %dma_wait3A_113 = tpu.memref_slice %arg7[%dma_wait3A_111, %dma_wait3A_112] : memref<4096x1024xf32, #tpu.memory_space<hbm>> -> memref<8x1024xf32, #tpu.memory_space<hbm>>
        %dma_wait3A_114 = arith.constant 0 : i32
        %dma_wait3A_115 = arith.constant 0 : i32
        %dma_wait3A_116 = tpu.memref_slice %arg7[%dma_wait3A_114, %dma_wait3A_115] : memref<4096x1024xf32, #tpu.memory_space<hbm>> -> memref<8x1024xf32, #tpu.memory_space<hbm>>
        tpu.wait_dma2 semaphore(%arg22 : memref<!tpu.dma_semaphore, #tpu.memory_space<semaphore_mem>>) src(%arg14 : memref<8x1024xf32, #tpu.memory_space<vmem>>) dst(%dma_wait3A_116 : memref<8x1024xf32, #tpu.memory_space<hbm>>)
      } else {
      }
      %scan3A_53 = arith.constant 0 : i32
      %scan3A_54 = arith.constant 0 : i32
      %scan3A_55 = arith.constant 8 : i32
      %scan3A_56 = arith.addi %scan3A_54, %scan3A_55 : i32
      %scan3A_57 = arith.constant 1 : i32
      scf.for %scan3A_111 = %scan3A_54 to %scan3A_56 step %scan3A_57  : i32 {
        %mul3A_112 = arith.constant 8 : i32
        %mul3A_113 = arith.muli %mul3A_40, %mul3A_112 : i32
        %add3A_114 = arith.addi %mul3A_113, %scan3A_111 : i32
        %get3A = arith.index_cast %add3A_114 : i32 to index
        %get3A_115 = arith.constant 0 : index
        %get3A_116 = tpu.vector_load %arg10[%get3A, %get3A_115] {strides = array<i32>} : memref<128x16xf32, #tpu.memory_space<vmem>>, vector<1x16xf32>,
        %get3A_117 = vector.shape_cast %get3A_116 : vector<1x16xf32> to vector<16xf32>
        %get3A_118 = arith.index_cast %add3A_114 : i32 to index
        %get3A_119 = arith.constant 0 : index
        %get3A_120 = tpu.vector_load %arg11[%get3A_118, %get3A_119] {strides = array<i32>} : memref<128x16xf32, #tpu.memory_space<vmem>>, vector<1x16xf32>,
        %get3A_121 = vector.shape_cast %get3A_120 : vector<1x16xf32> to vector<16xf32>
        %scan3A_122 = arith.constant 0 : i32
        %scan3A_123 = arith.constant 64 : i32
        %scan3A_124 = arith.addi %scan3A_122, %scan3A_123 : i32
        %scan3A_125 = arith.constant 1 : i32
        scf.for %scan3A_127 = %scan3A_122 to %scan3A_124 step %scan3A_125  : i32 {
          %mul3A_128 = arith.constant 16 : i32
          %mul3A_129 = arith.muli %scan3A_127, %mul3A_128 : i32
          %get3A_130 = arith.index_cast %scan3A_111 : i32 to index
          %get3A_131 = arith.index_cast %mul3A_129 : i32 to index
          %get3A_132 = tpu.vector_load %arg12[%get3A_130, %get3A_131] {strides = array<i32>} : memref<8x1024xf32, #tpu.memory_space<vmem>>, vector<1x16xf32>,
          %get3A_133 = vector.shape_cast %get3A_132 : vector<1x16xf32> to vector<16xf32>
          %mul3A_134 = arith.mulf %get3A_133, %get3A_117 : vector<16xf32>
          %get3A_135 = arith.index_cast %scan3A_111 : i32 to index
          %get3A_136 = arith.index_cast %mul3A_129 : i32 to index
          %get3A_137 = tpu.vector_load %arg13[%get3A_135, %get3A_136] {strides = array<i32>} : memref<8x1024xf32, #tpu.memory_space<vmem>>, vector<1x16xf32>,
          %get3A_138 = vector.shape_cast %get3A_137 : vector<1x16xf32> to vector<16xf32>
          %mul3A_139 = arith.mulf %get3A_138, %get3A_121 : vector<16xf32>
          %add3A_140 = arith.addf %mul3A_134, %mul3A_139 : vector<16xf32>
          %swap3A = arith.index_cast %scan3A_111 : i32 to index
          %swap3A_141 = arith.index_cast %mul3A_129 : i32 to index
          %swap3A_142 = tpu.vector_load %arg14[%swap3A, %swap3A_141] {strides = array<i32>} : memref<8x1024xf32, #tpu.memory_space<vmem>>, vector<1x16xf32>,
          %swap3A_143 = vector.shape_cast %swap3A_142 : vector<1x16xf32> to vector<16xf32>
          %swap3A_144 = vector.shape_cast %add3A_140 : vector<16xf32> to vector<1x16xf32>
          tpu.vector_store %arg14[%swap3A, %swap3A_141], %swap3A_144 {strides = array<i32>} : memref<8x1024xf32, #tpu.memory_space<vmem>>, vector<1x16xf32>,
        }
        %scan3A_126 = arith.constant 64 : i32
      }
      %scan3A_58 = arith.constant 8 : i32
      %mul3A_59 = arith.constant 8 : i32
      %mul3A_60 = arith.muli %mul3A_40, %mul3A_59 : i32
      %add3A_61 = arith.addi %mul3A_2, %mul3A_60 : i32
      %dma_start3A_62 = arith.constant 0 : i32
      %dma_start3A_63 = tpu.memref_slice %arg7[%add3A_61, %dma_start3A_62] : memref<4096x1024xf32, #tpu.memory_space<hbm>> -> memref<8x1024xf32, #tpu.memory_space<hbm>>
      %dma_start3A_64 = arith.constant 0 : i32
      %dma_start3A_65 = tpu.memref_slice %arg7[%add3A_61, %dma_start3A_64] : memref<4096x1024xf32, #tpu.memory_space<hbm>> -> memref<8x1024xf32, #tpu.memory_space<hbm>>
      tpu.enqueue_dma source(%arg14 : memref<8x1024xf32, #tpu.memory_space<vmem>>) target(%dma_start3A_65 : memref<8x1024xf32, #tpu.memory_space<hbm>>) target_semaphore(%arg22 : memref<!tpu.dma_semaphore, #tpu.memory_space<semaphore_mem>>)
      %add3A_66 = arith.constant 1 : i32
      %add3A_67 = arith.addi %scan3A_38, %add3A_66 : i32
      %lt3A = arith.constant 8 : i32
      %lt3A_68 = arith.cmpi slt, %add3A_67, %lt3A : i32
      %convert_element_type3A_69 = arith.extui %lt3A_68 : i1 to i32
      %cond3A_70 = arith.constant 0 : i32
      %cond3A_71 = arith.cmpi ne, %convert_element_type3A_69, %cond3A_70 : i32
      scf.if %cond3A_71 {
        %add3A_111 = arith.constant 2 : i32
        %add3A_112 = arith.addi %mul3A_40, %add3A_111 : i32
        %mul3A_113 = arith.constant 8 : i32
        %mul3A_114 = arith.muli %add3A_112, %mul3A_113 : i32
        %dma_start3A_115 = tpu.memref_slice %arg8[%mul3A_114] : memref<128xi32, #tpu.memory_space<vmem>> -> memref<8xi32, #tpu.memory_space<vmem>>
        %dma_start3A_116 = arith.constant 0 : i32
        %dma_start3A_117 = arith.constant 0 : i32
        %dma_start3A_118 = tpu.memref_slice %arg2[%dma_start3A_116, %dma_start3A_117] : memref<10240x1024xf32, #tpu.memory_space<hbm>> -> memref<10240x1024xf32, #tpu.memory_space<hbm>>
        tpu.enqueue_indirect_dma source(%dma_start3A_118 : memref<10240x1024xf32, #tpu.memory_space<hbm>>) target(%arg12 : memref<8x1024xf32, #tpu.memory_space<vmem>>) offsets(%dma_start3A_115 : memref<8xi32, #tpu.memory_space<vmem>>) semaphore(%arg18 : memref<!tpu.dma_semaphore, #tpu.memory_space<semaphore_mem>>)
        %add3A_119 = arith.constant 2 : i32
        %add3A_120 = arith.addi %mul3A_40, %add3A_119 : i32
        %mul3A_121 = arith.constant 8 : i32
        %mul3A_122 = arith.muli %add3A_120, %mul3A_121 : i32
        %dma_start3A_123 = tpu.memref_slice %arg9[%mul3A_122] : memref<128xi32, #tpu.memory_space<vmem>> -> memref<8xi32, #tpu.memory_space<vmem>>
        %dma_start3A_124 = arith.constant 0 : i32
        %dma_start3A_125 = arith.constant 0 : i32
        %dma_start3A_126 = tpu.memref_slice %arg2[%dma_start3A_124, %dma_start3A_125] : memref<10240x1024xf32, #tpu.memory_space<hbm>> -> memref<10240x1024xf32, #tpu.memory_space<hbm>>
        tpu.enqueue_indirect_dma source(%dma_start3A_126 : memref<10240x1024xf32, #tpu.memory_space<hbm>>) target(%arg13 : memref<8x1024xf32, #tpu.memory_space<vmem>>) offsets(%dma_start3A_123 : memref<8xi32, #tpu.memory_space<vmem>>) semaphore(%arg19 : memref<!tpu.dma_semaphore, #tpu.memory_space<semaphore_mem>>)
      } else {
      }
      %dma_wait3A_72 = arith.constant 0 : i32
      %dma_wait3A_73 = tpu.memref_slice %arg8[%dma_wait3A_72] : memref<128xi32, #tpu.memory_space<vmem>> -> memref<8xi32, #tpu.memory_space<vmem>>
      %dma_wait3A_74 = arith.constant 0 : i32
      %dma_wait3A_75 = arith.constant 0 : i32
      %dma_wait3A_76 = tpu.memref_slice %arg2[%dma_wait3A_74, %dma_wait3A_75] : memref<10240x1024xf32, #tpu.memory_space<hbm>> -> memref<10240x1024xf32, #tpu.memory_space<hbm>>
      tpu.wait_indirect_dma semaphore(%arg20 : memref<!tpu.dma_semaphore, #tpu.memory_space<semaphore_mem>>) src(%dma_wait3A_76 : memref<10240x1024xf32, #tpu.memory_space<hbm>>) dst(%arg15 : memref<8x1024xf32, #tpu.memory_space<vmem>>)
      %dma_wait3A_77 = arith.constant 0 : i32
      %dma_wait3A_78 = tpu.memref_slice %arg8[%dma_wait3A_77] : memref<128xi32, #tpu.memory_space<vmem>> -> memref<8xi32, #tpu.memory_space<vmem>>
      %dma_wait3A_79 = arith.constant 0 : i32
      %dma_wait3A_80 = arith.constant 0 : i32
      %dma_wait3A_81 = tpu.memref_slice %arg2[%dma_wait3A_79, %dma_wait3A_80] : memref<10240x1024xf32, #tpu.memory_space<hbm>> -> memref<10240x1024xf32, #tpu.memory_space<hbm>>
      tpu.wait_indirect_dma semaphore(%arg21 : memref<!tpu.dma_semaphore, #tpu.memory_space<semaphore_mem>>) src(%dma_wait3A_81 : memref<10240x1024xf32, #tpu.memory_space<hbm>>) dst(%arg16 : memref<8x1024xf32, #tpu.memory_space<vmem>>)
      %gt3A_82 = arith.constant 0 : i32
      %gt3A_83 = arith.cmpi sgt, %scan3A_38, %gt3A_82 : i32
      %convert_element_type3A_84 = arith.extui %gt3A_83 : i1 to i32
      %cond3A_85 = arith.constant 0 : i32
      %cond3A_86 = arith.cmpi ne, %convert_element_type3A_84, %cond3A_85 : i32
      scf.if %cond3A_86 {
        %dma_wait3A_111 = arith.constant 0 : i32
        %dma_wait3A_112 = arith.constant 0 : i32
        %dma_wait3A_113 = tpu.memref_slice %arg7[%dma_wait3A_111, %dma_wait3A_112] : memref<4096x1024xf32, #tpu.memory_space<hbm>> -> memref<8x1024xf32, #tpu.memory_space<hbm>>
        %dma_wait3A_114 = arith.constant 0 : i32
        %dma_wait3A_115 = arith.constant 0 : i32
        %dma_wait3A_116 = tpu.memref_slice %arg7[%dma_wait3A_114, %dma_wait3A_115] : memref<4096x1024xf32, #tpu.memory_space<hbm>> -> memref<8x1024xf32, #tpu.memory_space<hbm>>
        tpu.wait_dma2 semaphore(%arg23 : memref<!tpu.dma_semaphore, #tpu.memory_space<semaphore_mem>>) src(%arg17 : memref<8x1024xf32, #tpu.memory_space<vmem>>) dst(%dma_wait3A_116 : memref<8x1024xf32, #tpu.memory_space<hbm>>)
      } else {
      }
      %add3A_87 = arith.constant 1 : i32
      %add3A_88 = arith.addi %mul3A_40, %add3A_87 : i32
      %scan3A_89 = arith.constant 0 : i32
      %scan3A_90 = arith.constant 0 : i32
      %scan3A_91 = arith.constant 8 : i32
      %scan3A_92 = arith.addi %scan3A_90, %scan3A_91 : i32
      %scan3A_93 = arith.constant 1 : i32
      scf.for %scan3A_111 = %scan3A_90 to %scan3A_92 step %scan3A_93  : i32 {
        %mul3A_112 = arith.constant 8 : i32
        %mul3A_113 = arith.muli %add3A_88, %mul3A_112 : i32
        %add3A_114 = arith.addi %mul3A_113, %scan3A_111 : i32
        %get3A = arith.index_cast %add3A_114 : i32 to index
        %get3A_115 = arith.constant 0 : index
        %get3A_116 = tpu.vector_load %arg10[%get3A, %get3A_115] {strides = array<i32>} : memref<128x16xf32, #tpu.memory_space<vmem>>, vector<1x16xf32>,
        %get3A_117 = vector.shape_cast %get3A_116 : vector<1x16xf32> to vector<16xf32>
        %get3A_118 = arith.index_cast %add3A_114 : i32 to index
        %get3A_119 = arith.constant 0 : index
        %get3A_120 = tpu.vector_load %arg11[%get3A_118, %get3A_119] {strides = array<i32>} : memref<128x16xf32, #tpu.memory_space<vmem>>, vector<1x16xf32>,
        %get3A_121 = vector.shape_cast %get3A_120 : vector<1x16xf32> to vector<16xf32>
        %scan3A_122 = arith.constant 0 : i32
        %scan3A_123 = arith.constant 64 : i32
        %scan3A_124 = arith.addi %scan3A_122, %scan3A_123 : i32
        %scan3A_125 = arith.constant 1 : i32
        scf.for %scan3A_127 = %scan3A_122 to %scan3A_124 step %scan3A_125  : i32 {
          %mul3A_128 = arith.constant 16 : i32
          %mul3A_129 = arith.muli %scan3A_127, %mul3A_128 : i32
          %get3A_130 = arith.index_cast %scan3A_111 : i32 to index
          %get3A_131 = arith.index_cast %mul3A_129 : i32 to index
          %get3A_132 = tpu.vector_load %arg15[%get3A_130, %get3A_131] {strides = array<i32>} : memref<8x1024xf32, #tpu.memory_space<vmem>>, vector<1x16xf32>,
          %get3A_133 = vector.shape_cast %get3A_132 : vector<1x16xf32> to vector<16xf32>
          %mul3A_134 = arith.mulf %get3A_133, %get3A_117 : vector<16xf32>
          %get3A_135 = arith.index_cast %scan3A_111 : i32 to index
          %get3A_136 = arith.index_cast %mul3A_129 : i32 to index
          %get3A_137 = tpu.vector_load %arg16[%get3A_135, %get3A_136] {strides = array<i32>} : memref<8x1024xf32, #tpu.memory_space<vmem>>, vector<1x16xf32>,
          %get3A_138 = vector.shape_cast %get3A_137 : vector<1x16xf32> to vector<16xf32>
          %mul3A_139 = arith.mulf %get3A_138, %get3A_121 : vector<16xf32>
          %add3A_140 = arith.addf %mul3A_134, %mul3A_139 : vector<16xf32>
          %swap3A = arith.index_cast %scan3A_111 : i32 to index
          %swap3A_141 = arith.index_cast %mul3A_129 : i32 to index
          %swap3A_142 = tpu.vector_load %arg17[%swap3A, %swap3A_141] {strides = array<i32>} : memref<8x1024xf32, #tpu.memory_space<vmem>>, vector<1x16xf32>,
          %swap3A_143 = vector.shape_cast %swap3A_142 : vector<1x16xf32> to vector<16xf32>
          %swap3A_144 = vector.shape_cast %add3A_140 : vector<16xf32> to vector<1x16xf32>
          tpu.vector_store %arg17[%swap3A, %swap3A_141], %swap3A_144 {strides = array<i32>} : memref<8x1024xf32, #tpu.memory_space<vmem>>, vector<1x16xf32>,
        }
        %scan3A_126 = arith.constant 64 : i32
      }
      %scan3A_94 = arith.constant 8 : i32
      %add3A_95 = arith.constant 1 : i32
      %add3A_96 = arith.addi %mul3A_40, %add3A_95 : i32
      %mul3A_97 = arith.constant 8 : i32
      %mul3A_98 = arith.muli %add3A_96, %mul3A_97 : i32
      %add3A_99 = arith.addi %mul3A_2, %mul3A_98 : i32
      %dma_start3A_100 = arith.constant 0 : i32
      %dma_start3A_101 = tpu.memref_slice %arg7[%add3A_99, %dma_start3A_100] : memref<4096x1024xf32, #tpu.memory_space<hbm>> -> memref<8x1024xf32, #tpu.memory_space<hbm>>
      %dma_start3A_102 = arith.constant 0 : i32
      %dma_start3A_103 = tpu.memref_slice %arg7[%add3A_99, %dma_start3A_102] : memref<4096x1024xf32, #tpu.memory_space<hbm>> -> memref<8x1024xf32, #tpu.memory_space<hbm>>
      tpu.enqueue_dma source(%arg17 : memref<8x1024xf32, #tpu.memory_space<vmem>>) target(%dma_start3A_103 : memref<8x1024xf32, #tpu.memory_space<hbm>>) target_semaphore(%arg23 : memref<!tpu.dma_semaphore, #tpu.memory_space<semaphore_mem>>)
      %add3A_104 = arith.constant 1 : i32
      %add3A_105 = arith.addi %scan3A_38, %add3A_104 : i32
      %lt3A_106 = arith.constant 8 : i32
      %lt3A_107 = arith.cmpi slt, %add3A_105, %lt3A_106 : i32
      %convert_element_type3A_108 = arith.extui %lt3A_107 : i1 to i32
      %cond3A_109 = arith.constant 0 : i32
      %cond3A_110 = arith.cmpi ne, %convert_element_type3A_108, %cond3A_109 : i32
      scf.if %cond3A_110 {
        %add3A_111 = arith.constant 3 : i32
        %add3A_112 = arith.addi %mul3A_40, %add3A_111 : i32
        %mul3A_113 = arith.constant 8 : i32
        %mul3A_114 = arith.muli %add3A_112, %mul3A_113 : i32
        %dma_start3A_115 = tpu.memref_slice %arg8[%mul3A_114] : memref<128xi32, #tpu.memory_space<vmem>> -> memref<8xi32, #tpu.memory_space<vmem>>
        %dma_start3A_116 = arith.constant 0 : i32
        %dma_start3A_117 = arith.constant 0 : i32
        %dma_start3A_118 = tpu.memref_slice %arg2[%dma_start3A_116, %dma_start3A_117] : memref<10240x1024xf32, #tpu.memory_space<hbm>> -> memref<10240x1024xf32, #tpu.memory_space<hbm>>
        tpu.enqueue_indirect_dma source(%dma_start3A_118 : memref<10240x1024xf32, #tpu.memory_space<hbm>>) target(%arg15 : memref<8x1024xf32, #tpu.memory_space<vmem>>) offsets(%dma_start3A_115 : memref<8xi32, #tpu.memory_space<vmem>>) semaphore(%arg20 : memref<!tpu.dma_semaphore, #tpu.memory_space<semaphore_mem>>)
        %add3A_119 = arith.constant 3 : i32
        %add3A_120 = arith.addi %mul3A_40, %add3A_119 : i32
        %mul3A_121 = arith.constant 8 : i32
        %mul3A_122 = arith.muli %add3A_120, %mul3A_121 : i32
        %dma_start3A_123 = tpu.memref_slice %arg9[%mul3A_122] : memref<128xi32, #tpu.memory_space<vmem>> -> memref<8xi32, #tpu.memory_space<vmem>>
        %dma_start3A_124 = arith.constant 0 : i32
        %dma_start3A_125 = arith.constant 0 : i32
        %dma_start3A_126 = tpu.memref_slice %arg2[%dma_start3A_124, %dma_start3A_125] : memref<10240x1024xf32, #tpu.memory_space<hbm>> -> memref<10240x1024xf32, #tpu.memory_space<hbm>>
        tpu.enqueue_indirect_dma source(%dma_start3A_126 : memref<10240x1024xf32, #tpu.memory_space<hbm>>) target(%arg16 : memref<8x1024xf32, #tpu.memory_space<vmem>>) offsets(%dma_start3A_123 : memref<8xi32, #tpu.memory_space<vmem>>) semaphore(%arg21 : memref<!tpu.dma_semaphore, #tpu.memory_space<semaphore_mem>>)
      } else {
      }
    }
    %scan3A_26 = arith.constant 8 : i32
    %dma_wait3A = arith.constant 0 : i32
    %dma_wait3A_27 = arith.constant 0 : i32
    %dma_wait3A_28 = tpu.memref_slice %arg7[%dma_wait3A, %dma_wait3A_27] : memref<4096x1024xf32, #tpu.memory_space<hbm>> -> memref<8x1024xf32, #tpu.memory_space<hbm>>
    %dma_wait3A_29 = arith.constant 0 : i32
    %dma_wait3A_30 = arith.constant 0 : i32
    %dma_wait3A_31 = tpu.memref_slice %arg7[%dma_wait3A_29, %dma_wait3A_30] : memref<4096x1024xf32, #tpu.memory_space<hbm>> -> memref<8x1024xf32, #tpu.memory_space<hbm>>
    tpu.wait_dma2 semaphore(%arg22 : memref<!tpu.dma_semaphore, #tpu.memory_space<semaphore_mem>>) src(%arg14 : memref<8x1024xf32, #tpu.memory_space<vmem>>) dst(%dma_wait3A_31 : memref<8x1024xf32, #tpu.memory_space<hbm>>)
    %dma_wait3A_32 = arith.constant 0 : i32
    %dma_wait3A_33 = arith.constant 0 : i32
    %dma_wait3A_34 = tpu.memref_slice %arg7[%dma_wait3A_32, %dma_wait3A_33] : memref<4096x1024xf32, #tpu.memory_space<hbm>> -> memref<8x1024xf32, #tpu.memory_space<hbm>>
    %dma_wait3A_35 = arith.constant 0 : i32
    %dma_wait3A_36 = arith.constant 0 : i32
    %dma_wait3A_37 = tpu.memref_slice %arg7[%dma_wait3A_35, %dma_wait3A_36] : memref<4096x1024xf32, #tpu.memory_space<hbm>> -> memref<8x1024xf32, #tpu.memory_space<hbm>>
    tpu.wait_dma2 semaphore(%arg23 : memref<!tpu.dma_semaphore, #tpu.memory_space<semaphore_mem>>) src(%arg17 : memref<8x1024xf32, #tpu.memory_space<vmem>>) dst(%dma_wait3A_37 : memref<8x1024xf32, #tpu.memory_space<hbm>>)
    return
  }
}

module attributes {stable_mosaic.version = 14 : i64} {
  func.func @_router_block(%arg0: i32, %arg1: memref<512x1024xf32, #tpu.memory_space<vmem>>, %arg2: memref<1024x8xf32, #tpu.memory_space<vmem>>, %arg3: memref<1x8xf32, #tpu.memory_space<vmem>>, %arg4: memref<512x8xf32, #tpu.memory_space<vmem>>, %arg5: memref<512x8xf32, #tpu.memory_space<vmem>>, %arg6: memref<1x8xf32, #tpu.memory_space<vmem>>, %arg7: memref<8x8xf32, #tpu.memory_space<vmem>>) attributes {dimension_semantics = [#tpu.dimension_semantics<arbitrary>], iteration_bounds = array<i64: 8>, scalar_prefetch = 0 : i64, scratch_operands = 1 : i64, tpu.core_type = #tpu.core_type<tc>, window_params = [{transform_indices = @transform_0, window_bounds = array<i64: 512, 1024>}, {pipeline_mode = #tpu.pipeline_mode<synchronous>, transform_indices = @transform_1, window_bounds = array<i64: 1024, 8>}, {pipeline_mode = #tpu.pipeline_mode<synchronous>, transform_indices = @transform_2, window_bounds = array<i64: 1, 8>}, {transform_indices = @transform_3, window_bounds = array<i64: 512, 8>}, {transform_indices = @transform_4, window_bounds = array<i64: 512, 8>}, {pipeline_mode = #tpu.pipeline_mode<synchronous>, transform_indices = @transform_5, window_bounds = array<i64: 1, 8>}]} {
    %get3A = arith.constant 0 : index
    %get3A_0 = arith.constant 0 : index
    %get3A_1 = vector.load %arg1[%get3A, %get3A_0] : memref<512x1024xf32, #tpu.memory_space<vmem>>, vector<512x1024xf32>
    %get3A_2 = arith.constant 0 : index
    %get3A_3 = arith.constant 0 : index
    %get3A_4 = vector.load %arg2[%get3A_2, %get3A_3] : memref<1024x8xf32, #tpu.memory_space<vmem>>, vector<1024x8xf32>
    %dot_general3A = arith.constant dense<0.000000e+00> : vector<512x8xf32>
    %dot_general3A_5 = tpu.matmul %get3A_1, %get3A_4, %dot_general3A {dimension_numbers = #tpu.dot_dimension_numbers<[1], [0], [0], [1], [0, 0, 1, 1], [], []>, transpose_lhs_hint = false} : vector<512x1024xf32>, vector<1024x8xf32>, vector<512x8xf32> -> vector<512x8xf32>
    %get3A_6 = arith.constant 0 : index
    %get3A_7 = arith.constant 0 : index
    %get3A_8 = vector.load %arg3[%get3A_6, %get3A_7] : memref<1x8xf32, #tpu.memory_space<vmem>>, vector<1x8xf32>
    %add3A = vector.broadcast %get3A_8 : vector<1x8xf32> to vector<512x8xf32>
    %add3A_9 = arith.addf %dot_general3A_5, %add3A : vector<512x8xf32>
    %swap3A = arith.constant 0 : index
    %swap3A_10 = arith.constant 0 : index
    %swap3A_11 = vector.load %arg4[%swap3A, %swap3A_10] : memref<512x8xf32, #tpu.memory_space<vmem>>, vector<512x8xf32>
    tpu.vector_store %arg4[%swap3A, %swap3A_10], %add3A_9 {strides = array<i32>} : memref<512x8xf32, #tpu.memory_space<vmem>>, vector<512x8xf32>,
    %iota3A = tpu.iota {dimensions = array<i32: 1>} : vector<512x8xi32>
    %reduce_max3A = arith.constant dense<0xFF800000> : vector<512xf32>
    %reduce_max3A_12 = vector.multi_reduction <maximumf>, %add3A_9, %reduce_max3A [1] : vector<512x8xf32> to vector<512xf32>
    %broadcast_in_dim3A = vector.shape_cast %reduce_max3A_12 : vector<512xf32> to vector<512x1xf32>
    %eq3A = vector.broadcast %broadcast_in_dim3A : vector<512x1xf32> to vector<512x8xf32>
    %eq3A_13 = arith.cmpf oeq, %add3A_9, %eq3A : vector<512x8xf32>
    %jit3A = arith.constant 8 : i32
    %broadcast_in_dim3A_14 = vector.broadcast %jit3A : i32 to vector<512x8xi32>
    %select_n3A = arith.select %eq3A_13, %iota3A, %broadcast_in_dim3A_14 : vector<512x8xi1>, vector<512x8xi32>
    %reduce_min3A = arith.constant dense<2147483647> : vector<512xi32>
    %reduce_min3A_15 = vector.multi_reduction <minsi>, %select_n3A, %reduce_min3A [1] : vector<512x8xi32> to vector<512xi32>
    %broadcast_in_dim3A_16 = vector.shape_cast %reduce_min3A_15 : vector<512xi32> to vector<512x1xi32>
    %eq3A_17 = vector.broadcast %broadcast_in_dim3A_16 : vector<512x1xi32> to vector<512x8xi32>
    %eq3A_18 = arith.cmpi eq, %iota3A, %eq3A_17 : vector<512x8xi32>
    %jit3A_19 = arith.constant 0xFF800000 : f32
    %broadcast_in_dim3A_20 = vector.broadcast %jit3A_19 : f32 to vector<512x8xf32>
    %select_n3A_21 = arith.select %eq3A_18, %broadcast_in_dim3A_20, %add3A_9 : vector<512x8xi1>, vector<512x8xf32>
    %reduce_max3A_22 = arith.constant dense<0xFF800000> : vector<512xf32>
    %reduce_max3A_23 = vector.multi_reduction <maximumf>, %select_n3A_21, %reduce_max3A_22 [1] : vector<512x8xf32> to vector<512xf32>
    %broadcast_in_dim3A_24 = vector.shape_cast %reduce_max3A_23 : vector<512xf32> to vector<512x1xf32>
    %eq3A_25 = vector.broadcast %broadcast_in_dim3A_24 : vector<512x1xf32> to vector<512x8xf32>
    %eq3A_26 = arith.cmpf oeq, %select_n3A_21, %eq3A_25 : vector<512x8xf32>
    %jit3A_27 = arith.constant 8 : i32
    %broadcast_in_dim3A_28 = vector.broadcast %jit3A_27 : i32 to vector<512x8xi32>
    %select_n3A_29 = arith.select %eq3A_26, %iota3A, %broadcast_in_dim3A_28 : vector<512x8xi1>, vector<512x8xi32>
    %reduce_min3A_30 = arith.constant dense<2147483647> : vector<512xi32>
    %reduce_min3A_31 = vector.multi_reduction <minsi>, %select_n3A_29, %reduce_min3A_30 [1] : vector<512x8xi32> to vector<512xi32>
    %broadcast_in_dim3A_32 = vector.shape_cast %reduce_min3A_31 : vector<512xi32> to vector<512x1xi32>
    %sub3A = arith.subf %broadcast_in_dim3A_24, %broadcast_in_dim3A : vector<512x1xf32>
    %exp3A = math.exp %sub3A : vector<512x1xf32>
    %add3A_33 = arith.constant 1.000000e+00 : f32
    %add3A_34 = vector.broadcast %add3A_33 : f32 to vector<512x1xf32>
    %add3A_35 = arith.addf %add3A_34, %exp3A : vector<512x1xf32>
    %div3A = arith.constant 1.000000e+00 : f32
    %div3A_36 = vector.broadcast %div3A : f32 to vector<512x1xf32>
    %div3A_37 = arith.divf %div3A_36, %add3A_35 : vector<512x1xf32>
    %add3A_38 = arith.constant 1.000000e+00 : f32
    %add3A_39 = vector.broadcast %add3A_38 : f32 to vector<512x1xf32>
    %add3A_40 = arith.addf %add3A_39, %exp3A : vector<512x1xf32>
    %div3A_41 = arith.divf %exp3A, %add3A_40 : vector<512x1xf32>
    %eq3A_42 = vector.broadcast %broadcast_in_dim3A_16 : vector<512x1xi32> to vector<512x8xi32>
    %eq3A_43 = arith.cmpi eq, %iota3A, %eq3A_42 : vector<512x8xi32>
    %convert_element_type3A = arith.extui %eq3A_43 : vector<512x8xi1> to vector<512x8xi32>
    %convert_element_type3A_44 = arith.sitofp %convert_element_type3A : vector<512x8xi32> to vector<512x8xf32>
    %eq3A_45 = vector.broadcast %broadcast_in_dim3A_32 : vector<512x1xi32> to vector<512x8xi32>
    %eq3A_46 = arith.cmpi eq, %iota3A, %eq3A_45 : vector<512x8xi32>
    %convert_element_type3A_47 = arith.extui %eq3A_46 : vector<512x8xi1> to vector<512x8xi32>
    %convert_element_type3A_48 = arith.sitofp %convert_element_type3A_47 : vector<512x8xi32> to vector<512x8xf32>
    %add3A_49 = arith.addf %convert_element_type3A_44, %convert_element_type3A_48 : vector<512x8xf32>
    %eq3A_50 = arith.constant 0 : i32
    %eq3A_51 = arith.cmpi eq, %arg0, %eq3A_50 : i32
    %convert_element_type3A_52 = arith.extui %eq3A_51 : i1 to i32
    %cond3A = arith.constant 0 : i32
    %cond3A_53 = arith.cmpi ne, %convert_element_type3A_52, %cond3A : i32
    scf.if %cond3A_53 {
      %broadcast_in_dim3A_140 = arith.constant 0.000000e+00 : f32
      %broadcast_in_dim3A_141 = vector.broadcast %broadcast_in_dim3A_140 : f32 to vector<8x8xf32>
      %swap3A_142 = arith.constant 0 : index
      %swap3A_143 = arith.constant 0 : index
      %swap3A_144 = vector.load %arg7[%swap3A_142, %swap3A_143] : memref<8x8xf32, #tpu.memory_space<vmem>>, vector<8x8xf32>
      tpu.vector_store %arg7[%swap3A_142, %swap3A_143], %broadcast_in_dim3A_141 {strides = array<i32>} : memref<8x8xf32, #tpu.memory_space<vmem>>, vector<8x8xf32>,
    } else {
    }
    %get3A_54 = arith.constant 0 : index
    %get3A_55 = arith.constant 0 : index
    %get3A_56 = vector.load %arg7[%get3A_54, %get3A_55] : memref<8x8xf32, #tpu.memory_space<vmem>>, vector<1x8xf32>
    %iota3A_57 = tpu.iota {dimensions = array<i32: 0>} : vector<512x512xi32>
    %iota3A_58 = tpu.iota {dimensions = array<i32: 1>} : vector<512x512xi32>
    %lt3A = arith.cmpi slt, %iota3A_58, %iota3A_57 : vector<512x512xi32>
    %convert_element_type3A_59 = arith.extui %lt3A : vector<512x512xi1> to vector<512x512xi32>
    %convert_element_type3A_60 = arith.sitofp %convert_element_type3A_59 : vector<512x512xi32> to vector<512x512xf32>
    %dot_general3A_61 = arith.constant dense<0.000000e+00> : vector<512x8xf32>
    %dot_general3A_62 = tpu.matmul %convert_element_type3A_60, %add3A_49, %dot_general3A_61 {dimension_numbers = #tpu.dot_dimension_numbers<[1], [0], [0], [1], [0, 0, 1, 1], [], []>, transpose_lhs_hint = false} : vector<512x512xf32>, vector<512x8xf32>, vector<512x8xf32> -> vector<512x8xf32>
    %add3A_63 = vector.broadcast %get3A_56 : vector<1x8xf32> to vector<512x8xf32>
    %add3A_64 = arith.addf %dot_general3A_62, %add3A_63 : vector<512x8xf32>
    %mul3A = arith.mulf %add3A_64, %convert_element_type3A_44 : vector<512x8xf32>
    %reduce_sum3A = arith.constant dense<0.000000e+00> : vector<512xf32>
    %reduce_sum3A_65 = vector.multi_reduction <add>, %mul3A, %reduce_sum3A [1] : vector<512x8xf32> to vector<512xf32>
    %broadcast_in_dim3A_66 = vector.shape_cast %reduce_sum3A_65 : vector<512xf32> to vector<512x1xf32>
    %add3A_67 = arith.addf %add3A_64, %convert_element_type3A_44 : vector<512x8xf32>
    %mul3A_68 = arith.mulf %add3A_67, %convert_element_type3A_48 : vector<512x8xf32>
    %reduce_sum3A_69 = arith.constant dense<0.000000e+00> : vector<512xf32>
    %reduce_sum3A_70 = vector.multi_reduction <add>, %mul3A_68, %reduce_sum3A_69 [1] : vector<512x8xf32> to vector<512xf32>
    %broadcast_in_dim3A_71 = vector.shape_cast %reduce_sum3A_70 : vector<512xf32> to vector<512x1xf32>
    %reduce_sum3A_72 = arith.constant dense<0.000000e+00> : vector<8xf32>
    %reduce_sum3A_73 = vector.multi_reduction <add>, %add3A_49, %reduce_sum3A_72 [0] : vector<512x8xf32> to vector<8xf32>
    %broadcast_in_dim3A_74 = vector.shape_cast %reduce_sum3A_73 : vector<8xf32> to vector<1x8xf32>
    %add3A_75 = arith.addf %get3A_56, %broadcast_in_dim3A_74 : vector<1x8xf32>
    %swap3A_76 = arith.constant 0 : index
    %swap3A_77 = arith.constant 0 : index
    %swap3A_78 = vector.load %arg7[%swap3A_76, %swap3A_77] : memref<8x8xf32, #tpu.memory_space<vmem>>, vector<1x8xf32>
    tpu.vector_store %arg7[%swap3A_76, %swap3A_77], %add3A_75 {strides = array<i32>} : memref<8x8xf32, #tpu.memory_space<vmem>>, vector<1x8xf32>,
    %swap3A_79 = arith.constant 0 : index
    %swap3A_80 = arith.constant 0 : index
    %swap3A_81 = vector.load %arg6[%swap3A_79, %swap3A_80] : memref<1x8xf32, #tpu.memory_space<vmem>>, vector<1x8xf32>
    tpu.vector_store %arg6[%swap3A_79, %swap3A_80], %add3A_75 {strides = array<i32>} : memref<1x8xf32, #tpu.memory_space<vmem>>, vector<1x8xf32>,
    %eq3A_82 = arith.constant 0 : i32
    %eq3A_83 = vector.broadcast %eq3A_82 : i32 to vector<512x8xi32>
    %eq3A_84 = arith.cmpi eq, %iota3A, %eq3A_83 : vector<512x8xi32>
    %convert_element_type3A_85 = arith.sitofp %broadcast_in_dim3A_16 : vector<512x1xi32> to vector<512x1xf32>
    %jit3A_86 = arith.constant 0.000000e+00 : f32
    %broadcast_in_dim3A_87 = vector.shape_cast %convert_element_type3A_85 : vector<512x1xf32> to vector<512x1xf32>
    %broadcast_in_dim3A_88 = vector.broadcast %broadcast_in_dim3A_87 : vector<512x1xf32> to vector<512x8xf32>
    %broadcast_in_dim3A_89 = vector.broadcast %jit3A_86 : f32 to vector<512x8xf32>
    %select_n3A_90 = arith.select %eq3A_84, %broadcast_in_dim3A_88, %broadcast_in_dim3A_89 : vector<512x8xi1>, vector<512x8xf32>
    %eq3A_91 = arith.constant 1 : i32
    %eq3A_92 = vector.broadcast %eq3A_91 : i32 to vector<512x8xi32>
    %eq3A_93 = arith.cmpi eq, %iota3A, %eq3A_92 : vector<512x8xi32>
    %convert_element_type3A_94 = arith.sitofp %broadcast_in_dim3A_32 : vector<512x1xi32> to vector<512x1xf32>
    %jit3A_95 = arith.constant 0.000000e+00 : f32
    %broadcast_in_dim3A_96 = vector.shape_cast %convert_element_type3A_94 : vector<512x1xf32> to vector<512x1xf32>
    %broadcast_in_dim3A_97 = vector.broadcast %broadcast_in_dim3A_96 : vector<512x1xf32> to vector<512x8xf32>
    %broadcast_in_dim3A_98 = vector.broadcast %jit3A_95 : f32 to vector<512x8xf32>
    %select_n3A_99 = arith.select %eq3A_93, %broadcast_in_dim3A_97, %broadcast_in_dim3A_98 : vector<512x8xi1>, vector<512x8xf32>
    %add3A_100 = arith.addf %select_n3A_90, %select_n3A_99 : vector<512x8xf32>
    %eq3A_101 = arith.constant 2 : i32
    %eq3A_102 = vector.broadcast %eq3A_101 : i32 to vector<512x8xi32>
    %eq3A_103 = arith.cmpi eq, %iota3A, %eq3A_102 : vector<512x8xi32>
    %jit3A_104 = arith.constant 0.000000e+00 : f32
    %broadcast_in_dim3A_105 = vector.shape_cast %div3A_37 : vector<512x1xf32> to vector<512x1xf32>
    %broadcast_in_dim3A_106 = vector.broadcast %broadcast_in_dim3A_105 : vector<512x1xf32> to vector<512x8xf32>
    %broadcast_in_dim3A_107 = vector.broadcast %jit3A_104 : f32 to vector<512x8xf32>
    %select_n3A_108 = arith.select %eq3A_103, %broadcast_in_dim3A_106, %broadcast_in_dim3A_107 : vector<512x8xi1>, vector<512x8xf32>
    %add3A_109 = arith.addf %add3A_100, %select_n3A_108 : vector<512x8xf32>
    %eq3A_110 = arith.constant 3 : i32
    %eq3A_111 = vector.broadcast %eq3A_110 : i32 to vector<512x8xi32>
    %eq3A_112 = arith.cmpi eq, %iota3A, %eq3A_111 : vector<512x8xi32>
    %jit3A_113 = arith.constant 0.000000e+00 : f32
    %broadcast_in_dim3A_114 = vector.shape_cast %div3A_41 : vector<512x1xf32> to vector<512x1xf32>
    %broadcast_in_dim3A_115 = vector.broadcast %broadcast_in_dim3A_114 : vector<512x1xf32> to vector<512x8xf32>
    %broadcast_in_dim3A_116 = vector.broadcast %jit3A_113 : f32 to vector<512x8xf32>
    %select_n3A_117 = arith.select %eq3A_112, %broadcast_in_dim3A_115, %broadcast_in_dim3A_116 : vector<512x8xi1>, vector<512x8xf32>
    %add3A_118 = arith.addf %add3A_109, %select_n3A_117 : vector<512x8xf32>
    %eq3A_119 = arith.constant 4 : i32
    %eq3A_120 = vector.broadcast %eq3A_119 : i32 to vector<512x8xi32>
    %eq3A_121 = arith.cmpi eq, %iota3A, %eq3A_120 : vector<512x8xi32>
    %jit3A_122 = arith.constant 0.000000e+00 : f32
    %broadcast_in_dim3A_123 = vector.shape_cast %broadcast_in_dim3A_66 : vector<512x1xf32> to vector<512x1xf32>
    %broadcast_in_dim3A_124 = vector.broadcast %broadcast_in_dim3A_123 : vector<512x1xf32> to vector<512x8xf32>
    %broadcast_in_dim3A_125 = vector.broadcast %jit3A_122 : f32 to vector<512x8xf32>
    %select_n3A_126 = arith.select %eq3A_121, %broadcast_in_dim3A_124, %broadcast_in_dim3A_125 : vector<512x8xi1>, vector<512x8xf32>
    %add3A_127 = arith.addf %add3A_118, %select_n3A_126 : vector<512x8xf32>
    %eq3A_128 = arith.constant 5 : i32
    %eq3A_129 = vector.broadcast %eq3A_128 : i32 to vector<512x8xi32>
    %eq3A_130 = arith.cmpi eq, %iota3A, %eq3A_129 : vector<512x8xi32>
    %jit3A_131 = arith.constant 0.000000e+00 : f32
    %broadcast_in_dim3A_132 = vector.shape_cast %broadcast_in_dim3A_71 : vector<512x1xf32> to vector<512x1xf32>
    %broadcast_in_dim3A_133 = vector.broadcast %broadcast_in_dim3A_132 : vector<512x1xf32> to vector<512x8xf32>
    %broadcast_in_dim3A_134 = vector.broadcast %jit3A_131 : f32 to vector<512x8xf32>
    %select_n3A_135 = arith.select %eq3A_130, %broadcast_in_dim3A_133, %broadcast_in_dim3A_134 : vector<512x8xi1>, vector<512x8xf32>
    %add3A_136 = arith.addf %add3A_127, %select_n3A_135 : vector<512x8xf32>
    %swap3A_137 = arith.constant 0 : index
    %swap3A_138 = arith.constant 0 : index
    %swap3A_139 = vector.load %arg5[%swap3A_137, %swap3A_138] : memref<512x8xf32, #tpu.memory_space<vmem>>, vector<512x8xf32>
    tpu.vector_store %arg5[%swap3A_137, %swap3A_138], %add3A_136 {strides = array<i32>} : memref<512x8xf32, #tpu.memory_space<vmem>>, vector<512x8xf32>,
    return
  }
  func.func @transform_0(%arg0: i32) -> (i32, i32) {
    %c0_i32 = arith.constant 0 : i32
    %c0_i32_0 = arith.constant 0 : i32
    return %arg0, %c0_i32 : i32, i32
  }
  func.func @transform_1(%arg0: i32) -> (i32, i32) {
    %c0_i32 = arith.constant 0 : i32
    %c0_i32_0 = arith.constant 0 : i32
    %c0_i32_1 = arith.constant 0 : i32
    return %c0_i32, %c0_i32_0 : i32, i32
  }
  func.func @transform_2(%arg0: i32) -> (i32, i32) {
    %c0_i32 = arith.constant 0 : i32
    %c0_i32_0 = arith.constant 0 : i32
    %c0_i32_1 = arith.constant 0 : i32
    return %c0_i32, %c0_i32_0 : i32, i32
  }
  func.func @transform_3(%arg0: i32) -> (i32, i32) {
    %c0_i32 = arith.constant 0 : i32
    %c0_i32_0 = arith.constant 0 : i32
    return %arg0, %c0_i32 : i32, i32
  }
  func.func @transform_4(%arg0: i32) -> (i32, i32) {
    %c0_i32 = arith.constant 0 : i32
    %c0_i32_0 = arith.constant 0 : i32
    return %arg0, %c0_i32 : i32, i32
  }
  func.func @transform_5(%arg0: i32) -> (i32, i32) {
    %c0_i32 = arith.constant 0 : i32
    %c0_i32_0 = arith.constant 0 : i32
    %c0_i32_1 = arith.constant 0 : i32
    return %c0_i32, %c0_i32_0 : i32, i32
  }
}

module attributes {stable_mosaic.version = 14 : i64} {
  func.func @_glue_block(%arg0: i32, %arg1: memref<512x8xf32, #tpu.memory_space<vmem>>, %arg2: memref<1x8xf32, #tpu.memory_space<vmem>>, %arg3: memref<512x1xi32, #tpu.memory_space<vmem>>, %arg4: memref<512x1xi32, #tpu.memory_space<vmem>>, %arg5: memref<512x16xf32, #tpu.memory_space<vmem>>, %arg6: memref<512x16xf32, #tpu.memory_space<vmem>>, %arg7: memref<40x1xi32, #tpu.memory_space<vmem>>, %arg8: memref<1x1xi32, #tpu.memory_space<vmem>>) attributes {dimension_semantics = [#tpu.dimension_semantics<arbitrary>], iteration_bounds = array<i64: 8>, scalar_prefetch = 0 : i64, scratch_operands = 0 : i64, tpu.core_type = #tpu.core_type<tc>, window_params = [{transform_indices = @transform_0, window_bounds = array<i64: 512, 8>}, {pipeline_mode = #tpu.pipeline_mode<synchronous>, transform_indices = @transform_1, window_bounds = array<i64: 1, 8>}, {transform_indices = @transform_2, window_bounds = array<i64: 512, 1>}, {transform_indices = @transform_3, window_bounds = array<i64: 512, 1>}, {transform_indices = @transform_4, window_bounds = array<i64: 512, 16>}, {transform_indices = @transform_5, window_bounds = array<i64: 512, 16>}, {pipeline_mode = #tpu.pipeline_mode<synchronous>, transform_indices = @transform_6, window_bounds = array<i64: 40, 1>}, {pipeline_mode = #tpu.pipeline_mode<synchronous>, transform_indices = @transform_7, window_bounds = array<i64: 1, 1>}]} {
    %get3A = arith.constant 0 : index
    %get3A_0 = arith.constant 0 : index
    %get3A_1 = vector.load %arg2[%get3A, %get3A_0] : memref<1x8xf32, #tpu.memory_space<vmem>>, vector<1x8xf32>
    %mul3A = arith.constant 3.906250e-03 : f32
    %mul3A_2 = vector.broadcast %mul3A : f32 to vector<1x8xf32>
    %mul3A_3 = arith.mulf %get3A_1, %mul3A_2 : vector<1x8xf32>
    %ceil3A = math.ceil %mul3A_3 : vector<1x8xf32>
    %mul3A_4 = arith.constant 2.560000e+02 : f32
    %mul3A_5 = vector.broadcast %mul3A_4 : f32 to vector<1x8xf32>
    %mul3A_6 = arith.mulf %ceil3A, %mul3A_5 : vector<1x8xf32>
    %iota3A = tpu.iota {dimensions = array<i32: 0>} : vector<8x8xi32>
    %iota3A_7 = tpu.iota {dimensions = array<i32: 1>} : vector<8x8xi32>
    %lt3A = arith.cmpi slt, %iota3A, %iota3A_7 : vector<8x8xi32>
    %convert_element_type3A = arith.extui %lt3A : vector<8x8xi1> to vector<8x8xi32>
    %convert_element_type3A_8 = arith.sitofp %convert_element_type3A : vector<8x8xi32> to vector<8x8xf32>
    %dot_general3A = arith.constant dense<0.000000e+00> : vector<1x8xf32>
    %dot_general3A_9 = tpu.matmul %mul3A_6, %convert_element_type3A_8, %dot_general3A {dimension_numbers = #tpu.dot_dimension_numbers<[1], [0], [0], [1], [0, 0, 1, 1], [], []>, transpose_lhs_hint = false} : vector<1x8xf32>, vector<8x8xf32>, vector<1x8xf32> -> vector<1x8xf32>
    %add3A = arith.addf %dot_general3A_9, %mul3A_6 : vector<1x8xf32>
    %get3A_10 = arith.constant 0 : index
    %get3A_11 = arith.constant 0 : index
    %get3A_12 = vector.load %arg1[%get3A_10, %get3A_11] : memref<512x8xf32, #tpu.memory_space<vmem>>, vector<512x8xf32>
    %slice3A = vector.extract_strided_slice %get3A_12 {offsets = [0, 0], sizes = [512, 1], strides = [1, 1]} : vector<512x8xf32> to vector<512x1xf32>
    %slice3A_13 = vector.extract_strided_slice %get3A_12 {offsets = [0, 1], sizes = [512, 1], strides = [1, 1]} : vector<512x8xf32> to vector<512x1xf32>
    %slice3A_14 = vector.extract_strided_slice %get3A_12 {offsets = [0, 2], sizes = [512, 1], strides = [1, 1]} : vector<512x8xf32> to vector<512x1xf32>
    %slice3A_15 = vector.extract_strided_slice %get3A_12 {offsets = [0, 3], sizes = [512, 1], strides = [1, 1]} : vector<512x8xf32> to vector<512x1xf32>
    %slice3A_16 = vector.extract_strided_slice %get3A_12 {offsets = [0, 4], sizes = [512, 1], strides = [1, 1]} : vector<512x8xf32> to vector<512x1xf32>
    %slice3A_17 = vector.extract_strided_slice %get3A_12 {offsets = [0, 5], sizes = [512, 1], strides = [1, 1]} : vector<512x8xf32> to vector<512x1xf32>
    %iota3A_18 = tpu.iota {dimensions = array<i32: 1>} : vector<512x8xi32>
    %convert_element_type3A_19 = arith.sitofp %iota3A_18 : vector<512x8xi32> to vector<512x8xf32>
    %eq3A = vector.broadcast %slice3A : vector<512x1xf32> to vector<512x8xf32>
    %eq3A_20 = arith.cmpf oeq, %convert_element_type3A_19, %eq3A : vector<512x8xf32>
    %convert_element_type3A_21 = arith.extui %eq3A_20 : vector<512x8xi1> to vector<512x8xi32>
    %convert_element_type3A_22 = arith.sitofp %convert_element_type3A_21 : vector<512x8xi32> to vector<512x8xf32>
    %eq3A_23 = vector.broadcast %slice3A_13 : vector<512x1xf32> to vector<512x8xf32>
    %eq3A_24 = arith.cmpf oeq, %convert_element_type3A_19, %eq3A_23 : vector<512x8xf32>
    %convert_element_type3A_25 = arith.extui %eq3A_24 : vector<512x8xi1> to vector<512x8xi32>
    %convert_element_type3A_26 = arith.sitofp %convert_element_type3A_25 : vector<512x8xi32> to vector<512x8xf32>
    %mul3A_27 = vector.broadcast %dot_general3A_9 : vector<1x8xf32> to vector<512x8xf32>
    %mul3A_28 = arith.mulf %convert_element_type3A_22, %mul3A_27 : vector<512x8xf32>
    %reduce_sum3A = arith.constant dense<0.000000e+00> : vector<512xf32>
    %reduce_sum3A_29 = vector.multi_reduction <add>, %mul3A_28, %reduce_sum3A [1] : vector<512x8xf32> to vector<512xf32>
    %broadcast_in_dim3A = vector.shape_cast %reduce_sum3A_29 : vector<512xf32> to vector<512x1xf32>
    %add3A_30 = arith.addf %broadcast_in_dim3A, %slice3A_16 : vector<512x1xf32>
    %mul3A_31 = vector.broadcast %dot_general3A_9 : vector<1x8xf32> to vector<512x8xf32>
    %mul3A_32 = arith.mulf %convert_element_type3A_26, %mul3A_31 : vector<512x8xf32>
    %reduce_sum3A_33 = arith.constant dense<0.000000e+00> : vector<512xf32>
    %reduce_sum3A_34 = vector.multi_reduction <add>, %mul3A_32, %reduce_sum3A_33 [1] : vector<512x8xf32> to vector<512xf32>
    %broadcast_in_dim3A_35 = vector.shape_cast %reduce_sum3A_34 : vector<512xf32> to vector<512x1xf32>
    %add3A_36 = arith.addf %broadcast_in_dim3A_35, %slice3A_17 : vector<512x1xf32>
    %convert_element_type3A_37 = arith.fptosi %add3A_30 : vector<512x1xf32> to vector<512x1xi32>
    %swap3A = arith.constant 0 : index
    %swap3A_38 = arith.constant 0 : index
    %swap3A_39 = vector.load %arg3[%swap3A, %swap3A_38] : memref<512x1xi32, #tpu.memory_space<vmem>>, vector<512x1xi32>
    tpu.vector_store %arg3[%swap3A, %swap3A_38], %convert_element_type3A_37 {strides = array<i32>} : memref<512x1xi32, #tpu.memory_space<vmem>>, vector<512x1xi32>,
    %convert_element_type3A_40 = arith.fptosi %add3A_36 : vector<512x1xf32> to vector<512x1xi32>
    %swap3A_41 = arith.constant 0 : index
    %swap3A_42 = arith.constant 0 : index
    %swap3A_43 = vector.load %arg4[%swap3A_41, %swap3A_42] : memref<512x1xi32, #tpu.memory_space<vmem>>, vector<512x1xi32>
    tpu.vector_store %arg4[%swap3A_41, %swap3A_42], %convert_element_type3A_40 {strides = array<i32>} : memref<512x1xi32, #tpu.memory_space<vmem>>, vector<512x1xi32>,
    %broadcast_in_dim3A_44 = arith.constant 0.000000e+00 : f32
    %broadcast_in_dim3A_45 = vector.broadcast %broadcast_in_dim3A_44 : f32 to vector<1x16xf32>
    %add3A_46 = vector.broadcast %slice3A_14 : vector<512x1xf32> to vector<512x16xf32>
    %add3A_47 = vector.broadcast %broadcast_in_dim3A_45 : vector<1x16xf32> to vector<512x16xf32>
    %add3A_48 = arith.addf %add3A_46, %add3A_47 : vector<512x16xf32>
    %swap3A_49 = arith.constant 0 : index
    %swap3A_50 = arith.constant 0 : index
    %swap3A_51 = vector.load %arg5[%swap3A_49, %swap3A_50] : memref<512x16xf32, #tpu.memory_space<vmem>>, vector<512x16xf32>
    tpu.vector_store %arg5[%swap3A_49, %swap3A_50], %add3A_48 {strides = array<i32>} : memref<512x16xf32, #tpu.memory_space<vmem>>, vector<512x16xf32>,
    %add3A_52 = vector.broadcast %slice3A_15 : vector<512x1xf32> to vector<512x16xf32>
    %add3A_53 = vector.broadcast %broadcast_in_dim3A_45 : vector<1x16xf32> to vector<512x16xf32>
    %add3A_54 = arith.addf %add3A_52, %add3A_53 : vector<512x16xf32>
    %swap3A_55 = arith.constant 0 : index
    %swap3A_56 = arith.constant 0 : index
    %swap3A_57 = vector.load %arg6[%swap3A_55, %swap3A_56] : memref<512x16xf32, #tpu.memory_space<vmem>>, vector<512x16xf32>
    tpu.vector_store %arg6[%swap3A_55, %swap3A_56], %add3A_54 {strides = array<i32>} : memref<512x16xf32, #tpu.memory_space<vmem>>, vector<512x16xf32>,
    %iota3A_58 = tpu.iota {dimensions = array<i32: 0>} : vector<40x8xi32>
    %convert_element_type3A_59 = arith.sitofp %iota3A_58 : vector<40x8xi32> to vector<40x8xf32>
    %mul3A_60 = arith.constant 2.560000e+02 : f32
    %mul3A_61 = vector.broadcast %mul3A_60 : f32 to vector<40x8xf32>
    %mul3A_62 = arith.mulf %convert_element_type3A_59, %mul3A_61 : vector<40x8xf32>
    %le3A = vector.broadcast %add3A : vector<1x8xf32> to vector<40x8xf32>
    %le3A_63 = arith.cmpf ole, %le3A, %mul3A_62 : vector<40x8xf32>
    %convert_element_type3A_64 = arith.extui %le3A_63 : vector<40x8xi1> to vector<40x8xi32>
    %convert_element_type3A_65 = arith.sitofp %convert_element_type3A_64 : vector<40x8xi32> to vector<40x8xf32>
    %reduce_sum3A_66 = arith.constant dense<0.000000e+00> : vector<40xf32>
    %reduce_sum3A_67 = vector.multi_reduction <add>, %convert_element_type3A_65, %reduce_sum3A_66 [1] : vector<40x8xf32> to vector<40xf32>
    %broadcast_in_dim3A_68 = vector.shape_cast %reduce_sum3A_67 : vector<40xf32> to vector<40x1xf32>
    %min3A = arith.constant 7.000000e+00 : f32
    %min3A_69 = vector.broadcast %min3A : f32 to vector<40x1xf32>
    %min3A_70 = arith.minimumf %broadcast_in_dim3A_68, %min3A_69 : vector<40x1xf32>
    %convert_element_type3A_71 = arith.fptosi %min3A_70 : vector<40x1xf32> to vector<40x1xi32>
    %swap3A_72 = arith.constant 0 : index
    %swap3A_73 = arith.constant 0 : index
    %swap3A_74 = vector.load %arg7[%swap3A_72, %swap3A_73] : memref<40x1xi32, #tpu.memory_space<vmem>>, vector<40x1xi32>
    tpu.vector_store %arg7[%swap3A_72, %swap3A_73], %convert_element_type3A_71 {strides = array<i32>} : memref<40x1xi32, #tpu.memory_space<vmem>>, vector<40x1xi32>,
    %reduce_sum3A_75 = arith.constant dense<0.000000e+00> : vector<1xf32>
    %reduce_sum3A_76 = vector.multi_reduction <add>, %mul3A_6, %reduce_sum3A_75 [1] : vector<1x8xf32> to vector<1xf32>
    %broadcast_in_dim3A_77 = vector.shape_cast %reduce_sum3A_76 : vector<1xf32> to vector<1x1xf32>
    %mul3A_78 = arith.constant 3.906250e-03 : f32
    %mul3A_79 = vector.broadcast %mul3A_78 : f32 to vector<1x1xf32>
    %mul3A_80 = arith.mulf %broadcast_in_dim3A_77, %mul3A_79 : vector<1x1xf32>
    %convert_element_type3A_81 = arith.fptosi %mul3A_80 : vector<1x1xf32> to vector<1x1xi32>
    %swap3A_82 = arith.constant 0 : index
    %swap3A_83 = arith.constant 0 : index
    %swap3A_84 = vector.load %arg8[%swap3A_82, %swap3A_83] : memref<1x1xi32, #tpu.memory_space<vmem>>, vector<1x1xi32>
    tpu.vector_store %arg8[%swap3A_82, %swap3A_83], %convert_element_type3A_81 {strides = array<i32>} : memref<1x1xi32, #tpu.memory_space<vmem>>, vector<1x1xi32>,
    return
  }
  func.func @transform_0(%arg0: i32) -> (i32, i32) {
    %c0_i32 = arith.constant 0 : i32
    %c0_i32_0 = arith.constant 0 : i32
    return %arg0, %c0_i32 : i32, i32
  }
  func.func @transform_1(%arg0: i32) -> (i32, i32) {
    %c0_i32 = arith.constant 0 : i32
    %c0_i32_0 = arith.constant 0 : i32
    %c0_i32_1 = arith.constant 0 : i32
    return %c0_i32, %c0_i32_0 : i32, i32
  }
  func.func @transform_2(%arg0: i32) -> (i32, i32) {
    %c0_i32 = arith.constant 0 : i32
    %c0_i32_0 = arith.constant 0 : i32
    return %arg0, %c0_i32 : i32, i32
  }
  func.func @transform_3(%arg0: i32) -> (i32, i32) {
    %c0_i32 = arith.constant 0 : i32
    %c0_i32_0 = arith.constant 0 : i32
    return %arg0, %c0_i32 : i32, i32
  }
  func.func @transform_4(%arg0: i32) -> (i32, i32) {
    %c0_i32 = arith.constant 0 : i32
    %c0_i32_0 = arith.constant 0 : i32
    return %arg0, %c0_i32 : i32, i32
  }
  func.func @transform_5(%arg0: i32) -> (i32, i32) {
    %c0_i32 = arith.constant 0 : i32
    %c0_i32_0 = arith.constant 0 : i32
    return %arg0, %c0_i32 : i32, i32
  }
  func.func @transform_6(%arg0: i32) -> (i32, i32) {
    %c0_i32 = arith.constant 0 : i32
    %c0_i32_0 = arith.constant 0 : i32
    %c0_i32_1 = arith.constant 0 : i32
    return %c0_i32, %c0_i32_0 : i32, i32
  }
  func.func @transform_7(%arg0: i32) -> (i32, i32) {
    %c0_i32 = arith.constant 0 : i32
    %c0_i32_0 = arith.constant 0 : i32
    %c0_i32_1 = arith.constant 0 : i32
    return %c0_i32, %c0_i32_0 : i32, i32
  }
}

module attributes {stable_mosaic.version = 14 : i64} {
  func.func @_ffn_block(%arg0: i32, %arg1: memref<40xi32, #tpu.memory_space<smem>>, %arg2: memref<1xi32, #tpu.memory_space<smem>>, %arg3: memref<256x1024xf32, #tpu.memory_space<vmem>>, %arg4: memref<1x1024x512xf32, #tpu.memory_space<vmem>>, %arg5: memref<1x1x512xf32, #tpu.memory_space<vmem>>, %arg6: memref<1x1x512xf32, #tpu.memory_space<vmem>>, %arg7: memref<1x1x512xf32, #tpu.memory_space<vmem>>, %arg8: memref<1x512x1000xf32, #tpu.memory_space<vmem>>, %arg9: memref<1x1x1000xf32, #tpu.memory_space<vmem>>, %arg10: memref<256x1024xf32, #tpu.memory_space<vmem>>) attributes {dimension_semantics = [#tpu.dimension_semantics<arbitrary>], iteration_bounds = array<i64: 40>, scalar_prefetch = 2 : i64, scratch_operands = 0 : i64, tpu.core_type = #tpu.core_type<tc>, window_params = [{transform_indices = @transform_0, window_bounds = array<i64: 256, 1024>}, {transform_indices = @transform_1, window_bounds = array<i64: 1, 1024, 512>}, {transform_indices = @transform_2, window_bounds = array<i64: 1, 1, 512>}, {transform_indices = @transform_3, window_bounds = array<i64: 1, 1, 512>}, {transform_indices = @transform_4, window_bounds = array<i64: 1, 1, 512>}, {transform_indices = @transform_5, window_bounds = array<i64: 1, 512, 1000>}, {transform_indices = @transform_6, window_bounds = array<i64: 1, 1, 1000>}, {transform_indices = @transform_7, window_bounds = array<i64: 256, 1024>}]} {
    %get3A = arith.constant 0 : index
    %get3A_0 = memref.load %arg2[%get3A] : memref<1xi32, #tpu.memory_space<smem>>
    %lt3A = arith.cmpi slt, %arg0, %get3A_0 : i32
    %convert_element_type3A = arith.extui %lt3A : i1 to i32
    %cond3A = arith.constant 0 : i32
    %cond3A_1 = arith.cmpi ne, %convert_element_type3A, %cond3A : i32
    scf.if %cond3A_1 {
      %get3A_2 = arith.constant 0 : index
      %get3A_3 = arith.constant 0 : index
      %get3A_4 = vector.load %arg3[%get3A_2, %get3A_3] : memref<256x1024xf32, #tpu.memory_space<vmem>>, vector<256x1024xf32>
      %get3A_5 = arith.constant 0 : index
      %get3A_6 = arith.constant 0 : index
      %get3A_7 = arith.constant 0 : index
      %get3A_8 = vector.load %arg4[%get3A_5, %get3A_6, %get3A_7] : memref<1x1024x512xf32, #tpu.memory_space<vmem>>, vector<1x1024x512xf32>
      %get3A_9 = vector.shape_cast %get3A_8 : vector<1x1024x512xf32> to vector<1024x512xf32>
      %dot_general3A = arith.constant dense<0.000000e+00> : vector<256x512xf32>
      %dot_general3A_10 = tpu.matmul %get3A_4, %get3A_9, %dot_general3A {dimension_numbers = #tpu.dot_dimension_numbers<[1], [0], [0], [1], [0, 0, 1, 1], [], []>, transpose_lhs_hint = false} : vector<256x1024xf32>, vector<1024x512xf32>, vector<256x512xf32> -> vector<256x512xf32>
      %get3A_11 = arith.constant 0 : index
      %get3A_12 = arith.constant 0 : index
      %get3A_13 = arith.constant 0 : index
      %get3A_14 = vector.load %arg5[%get3A_11, %get3A_12, %get3A_13] : memref<1x1x512xf32, #tpu.memory_space<vmem>>, vector<1x1x512xf32>
      %get3A_15 = vector.shape_cast %get3A_14 : vector<1x1x512xf32> to vector<1x512xf32>
      %add3A = vector.broadcast %get3A_15 : vector<1x512xf32> to vector<256x512xf32>
      %add3A_16 = arith.addf %dot_general3A_10, %add3A : vector<256x512xf32>
      %reduce_sum3A = arith.constant dense<0.000000e+00> : vector<256xf32>
      %reduce_sum3A_17 = vector.multi_reduction <add>, %add3A_16, %reduce_sum3A [1] : vector<256x512xf32> to vector<256xf32>
      %broadcast_in_dim3A = vector.shape_cast %reduce_sum3A_17 : vector<256xf32> to vector<256x1xf32>
      %div3A = arith.constant 5.120000e+02 : f32
      %div3A_18 = vector.broadcast %div3A : f32 to vector<256x1xf32>
      %div3A_19 = arith.divf %broadcast_in_dim3A, %div3A_18 : vector<256x1xf32>
      %sub3A = vector.broadcast %div3A_19 : vector<256x1xf32> to vector<256x512xf32>
      %sub3A_20 = arith.subf %add3A_16, %sub3A : vector<256x512xf32>
      %integer_pow3A = arith.mulf %sub3A_20, %sub3A_20 : vector<256x512xf32>
      %reduce_sum3A_21 = arith.constant dense<0.000000e+00> : vector<256xf32>
      %reduce_sum3A_22 = vector.multi_reduction <add>, %integer_pow3A, %reduce_sum3A_21 [1] : vector<256x512xf32> to vector<256xf32>
      %broadcast_in_dim3A_23 = vector.shape_cast %reduce_sum3A_22 : vector<256xf32> to vector<256x1xf32>
      %div3A_24 = arith.constant 5.120000e+02 : f32
      %div3A_25 = vector.broadcast %div3A_24 : f32 to vector<256x1xf32>
      %div3A_26 = arith.divf %broadcast_in_dim3A_23, %div3A_25 : vector<256x1xf32>
      %sub3A_27 = vector.broadcast %div3A_19 : vector<256x1xf32> to vector<256x512xf32>
      %sub3A_28 = arith.subf %add3A_16, %sub3A_27 : vector<256x512xf32>
      %add3A_29 = arith.constant 9.99999974E-6 : f32
      %add3A_30 = vector.broadcast %add3A_29 : f32 to vector<256x1xf32>
      %add3A_31 = arith.addf %div3A_26, %add3A_30 : vector<256x1xf32>
      %sqrt3A = math.sqrt %add3A_31 : vector<256x1xf32>
      %div3A_32 = vector.broadcast %sqrt3A : vector<256x1xf32> to vector<256x512xf32>
      %div3A_33 = arith.divf %sub3A_28, %div3A_32 : vector<256x512xf32>
      %get3A_34 = arith.constant 0 : index
      %get3A_35 = arith.constant 0 : index
      %get3A_36 = arith.constant 0 : index
      %get3A_37 = vector.load %arg6[%get3A_34, %get3A_35, %get3A_36] : memref<1x1x512xf32, #tpu.memory_space<vmem>>, vector<1x1x512xf32>
      %get3A_38 = vector.shape_cast %get3A_37 : vector<1x1x512xf32> to vector<1x512xf32>
      %mul3A = vector.broadcast %get3A_38 : vector<1x512xf32> to vector<256x512xf32>
      %mul3A_39 = arith.mulf %div3A_33, %mul3A : vector<256x512xf32>
      %get3A_40 = arith.constant 0 : index
      %get3A_41 = arith.constant 0 : index
      %get3A_42 = arith.constant 0 : index
      %get3A_43 = vector.load %arg7[%get3A_40, %get3A_41, %get3A_42] : memref<1x1x512xf32, #tpu.memory_space<vmem>>, vector<1x1x512xf32>
      %get3A_44 = vector.shape_cast %get3A_43 : vector<1x1x512xf32> to vector<1x512xf32>
      %add3A_45 = vector.broadcast %get3A_44 : vector<1x512xf32> to vector<256x512xf32>
      %add3A_46 = arith.addf %mul3A_39, %add3A_45 : vector<256x512xf32>
      %mul3A_47 = arith.constant 5.000000e-01 : f32
      %mul3A_48 = vector.broadcast %mul3A_47 : f32 to vector<256x512xf32>
      %mul3A_49 = arith.mulf %mul3A_48, %add3A_46 : vector<256x512xf32>
      %mul3A_50 = arith.constant 0.707106769 : f32
      %mul3A_51 = vector.broadcast %mul3A_50 : f32 to vector<256x512xf32>
      %mul3A_52 = arith.mulf %add3A_46, %mul3A_51 : vector<256x512xf32>
      %erf3A = math.erf %mul3A_52 : vector<256x512xf32>
      %add3A_53 = arith.constant 1.000000e+00 : f32
      %add3A_54 = vector.broadcast %add3A_53 : f32 to vector<256x512xf32>
      %add3A_55 = arith.addf %add3A_54, %erf3A : vector<256x512xf32>
      %mul3A_56 = arith.mulf %mul3A_49, %add3A_55 : vector<256x512xf32>
      %get3A_57 = arith.constant 0 : index
      %get3A_58 = arith.constant 0 : index
      %get3A_59 = arith.constant 0 : index
      %get3A_60 = vector.load %arg8[%get3A_57, %get3A_58, %get3A_59] : memref<1x512x1000xf32, #tpu.memory_space<vmem>>, vector<1x512x1000xf32>
      %get3A_61 = vector.shape_cast %get3A_60 : vector<1x512x1000xf32> to vector<512x1000xf32>
      %dot_general3A_62 = arith.constant dense<0.000000e+00> : vector<256x1000xf32>
      %dot_general3A_63 = tpu.matmul %mul3A_56, %get3A_61, %dot_general3A_62 {dimension_numbers = #tpu.dot_dimension_numbers<[1], [0], [0], [1], [0, 0, 1, 1], [], []>, transpose_lhs_hint = false} : vector<256x512xf32>, vector<512x1000xf32>, vector<256x1000xf32> -> vector<256x1000xf32>
      %get3A_64 = arith.constant 0 : index
      %get3A_65 = arith.constant 0 : index
      %get3A_66 = arith.constant 0 : index
      %get3A_67 = vector.load %arg9[%get3A_64, %get3A_65, %get3A_66] : memref<1x1x1000xf32, #tpu.memory_space<vmem>>, vector<1x1x1000xf32>
      %get3A_68 = vector.shape_cast %get3A_67 : vector<1x1x1000xf32> to vector<1x1000xf32>
      %add3A_69 = vector.broadcast %get3A_68 : vector<1x1000xf32> to vector<256x1000xf32>
      %add3A_70 = arith.addf %dot_general3A_63, %add3A_69 : vector<256x1000xf32>
      %broadcast_in_dim3A_71 = arith.constant 0.000000e+00 : f32
      %broadcast_in_dim3A_72 = vector.broadcast %broadcast_in_dim3A_71 : f32 to vector<256x24xf32>
      %concatenate3A = tpu.concatenate %add3A_70, %broadcast_in_dim3A_72 in 1 : vector<256x1000xf32>, vector<256x24xf32> -> vector<256x1024xf32>
      %swap3A = arith.constant 0 : index
      %swap3A_73 = arith.constant 0 : index
      %swap3A_74 = vector.load %arg10[%swap3A, %swap3A_73] : memref<256x1024xf32, #tpu.memory_space<vmem>>, vector<256x1024xf32>
      tpu.vector_store %arg10[%swap3A, %swap3A_73], %concatenate3A {strides = array<i32>} : memref<256x1024xf32, #tpu.memory_space<vmem>>, vector<256x1024xf32>,
    } else {
    }
    return
  }
  func.func @transform_0(%arg0: i32, %arg1: memref<40xi32, #tpu.memory_space<smem>>, %arg2: memref<1xi32, #tpu.memory_space<smem>>) -> (i32, i32) {
    %c0_i32 = arith.constant 0 : i32
    %c0_i32_0 = arith.constant 0 : i32
    return %arg0, %c0_i32 : i32, i32
  }
  func.func @transform_1(%arg0: i32, %arg1: memref<40xi32, #tpu.memory_space<smem>>, %arg2: memref<1xi32, #tpu.memory_space<smem>>) -> (i32, i32, i32) {
    %get3A = arith.index_cast %arg0 : i32 to index
    %get3A_0 = memref.load %arg1[%get3A] : memref<40xi32, #tpu.memory_space<smem>>
    %c0_i32 = arith.constant 0 : i32
    %c0_i32_1 = arith.constant 0 : i32
    %c0_i32_2 = arith.constant 0 : i32
    return %get3A_0, %c0_i32, %c0_i32_1 : i32, i32, i32
  }
  func.func @transform_2(%arg0: i32, %arg1: memref<40xi32, #tpu.memory_space<smem>>, %arg2: memref<1xi32, #tpu.memory_space<smem>>) -> (i32, i32, i32) {
    %get3A = arith.index_cast %arg0 : i32 to index
    %get3A_0 = memref.load %arg1[%get3A] : memref<40xi32, #tpu.memory_space<smem>>
    %c0_i32 = arith.constant 0 : i32
    %c0_i32_1 = arith.constant 0 : i32
    %c0_i32_2 = arith.constant 0 : i32
    return %get3A_0, %c0_i32, %c0_i32_1 : i32, i32, i32
  }
  func.func @transform_3(%arg0: i32, %arg1: memref<40xi32, #tpu.memory_space<smem>>, %arg2: memref<1xi32, #tpu.memory_space<smem>>) -> (i32, i32, i32) {
    %get3A = arith.index_cast %arg0 : i32 to index
    %get3A_0 = memref.load %arg1[%get3A] : memref<40xi32, #tpu.memory_space<smem>>
    %c0_i32 = arith.constant 0 : i32
    %c0_i32_1 = arith.constant 0 : i32
    %c0_i32_2 = arith.constant 0 : i32
    return %get3A_0, %c0_i32, %c0_i32_1 : i32, i32, i32
  }
  func.func @transform_4(%arg0: i32, %arg1: memref<40xi32, #tpu.memory_space<smem>>, %arg2: memref<1xi32, #tpu.memory_space<smem>>) -> (i32, i32, i32) {
    %get3A = arith.index_cast %arg0 : i32 to index
    %get3A_0 = memref.load %arg1[%get3A] : memref<40xi32, #tpu.memory_space<smem>>
    %c0_i32 = arith.constant 0 : i32
    %c0_i32_1 = arith.constant 0 : i32
    %c0_i32_2 = arith.constant 0 : i32
    return %get3A_0, %c0_i32, %c0_i32_1 : i32, i32, i32
  }
  func.func @transform_5(%arg0: i32, %arg1: memref<40xi32, #tpu.memory_space<smem>>, %arg2: memref<1xi32, #tpu.memory_space<smem>>) -> (i32, i32, i32) {
    %get3A = arith.index_cast %arg0 : i32 to index
    %get3A_0 = memref.load %arg1[%get3A] : memref<40xi32, #tpu.memory_space<smem>>
    %c0_i32 = arith.constant 0 : i32
    %c0_i32_1 = arith.constant 0 : i32
    %c0_i32_2 = arith.constant 0 : i32
    return %get3A_0, %c0_i32, %c0_i32_1 : i32, i32, i32
  }
  func.func @transform_6(%arg0: i32, %arg1: memref<40xi32, #tpu.memory_space<smem>>, %arg2: memref<1xi32, #tpu.memory_space<smem>>) -> (i32, i32, i32) {
    %get3A = arith.index_cast %arg0 : i32 to index
    %get3A_0 = memref.load %arg1[%get3A] : memref<40xi32, #tpu.memory_space<smem>>
    %c0_i32 = arith.constant 0 : i32
    %c0_i32_1 = arith.constant 0 : i32
    %c0_i32_2 = arith.constant 0 : i32
    return %get3A_0, %c0_i32, %c0_i32_1 : i32, i32, i32
  }
  func.func @transform_7(%arg0: i32, %arg1: memref<40xi32, #tpu.memory_space<smem>>, %arg2: memref<1xi32, #tpu.memory_space<smem>>) -> (i32, i32) {
    %c0_i32 = arith.constant 0 : i32
    %c0_i32_0 = arith.constant 0 : i32
    return %arg0, %c0_i32 : i32, i32
  }
}

</mosaic_0001>

<sc_bundles>
// kernel: kernel.10.cloned.1.call-start
scs
__scs_entry_jumppad:
0x0: {  	(pc) =	sbr.rel $0x88, $3  }
0x1: {  	(tag) =	ssettag $0x0;
	lr =	simm.s32 $0x1  }
0x2: {  	[smem:$0x3F98] =	sst lr;
	_ =	strace $0xD0000000  }
0x3: {  	_ = 	snop  }
0x4: {  	_ = 	snop  }
0x5: {  	_ = 	snop  }
0x6: {  	_ = 	snop  }
0x7: {  	_ = 	snop  }
__scs_overlays_trampoline_lowered:
0x8: {  	[smem:$0x3FA7] =	sst s0  }
0x9: {  	[smem:$0x3FA8] =	sst s1  }
0xa: {  	[smem:$0x3FA9] =	sst s2  }
0xb: {  	[smem:$0x3FAA] =	sst s3  }
0xc: {  	[smem:$0x3FAB] =	sst s4  }
0xd: {  	[smem:$0x3FAC] =	sst s5  }
0xe: {  	[smem:$0x3FAD] =	sst s6  }
0xf: {  	[smem:$0x3FAE] =	sst s7  }
0x10: {  	[smem:$0x3FAF] =	sst s8  }
0x11: {  	[smem:$0x3FB0] =	sst s9;
	s0 =	simm.s32 @!p0 $0x0  }
0x12: {  	s1 =	sld [smem:$0x3F96];
	s0 =	simm.s32 @p0 $0x1  }
0x13: {  	[smem:$0x3FB1] =	sst s0;
	s0 =	simm.s32 @!p1 $0x0  }
0x14: {  	s2 =	sld [smem:$0x3F95];
	s0 =	simm.s32 @p1 $0x1  }
0x15: {  	[smem:$0x3FB2] =	sst s0;
	s0 =	simm.s32 @!p2 $0x0  }
0x16: {  	s3 =	sld [smem:$0x3FDB];
	s0 =	simm.s32 @p2 $0x1  }
0x17: {  	s4 =	simm.s32 $0x1BF5;
	[smem:$0x3FB4] =	sst s0  }
0x18: {  	s0 =	sld [smem:$0x3F97];
	_ =	swait.ge [sflag:s4], $0x0  }
0x19: {  	s7 =	sld [smem:$0x3F98]  }
0x1a: {  	s8 =	sadd.s32 $0xFFFFE003, lr  }
0x1b: {  	s9 =	sadd.s32 $0xFFFFFEF7, lr;
	s5 =	simm.s32 $0xFFFFFFFF;
	p2 =	slt.u32 s8, $0xFFFFF086  }
0x1c: {  	p1 =	slt.u32 s9, $0xF7A;
	s5 =	simm.s32 @!p2 $0x0  }
0x1d: {  	s5 =	simm.s32 @p1 $0x1;
	p0 =	seq.s32 s7, s2  }
0x1e: {  	s7 =	smul.u32 @!p0 $0xF7A, s2;
	p2 =	seq.s32 @!p0 s5, $0x0  }
0x1f: {  	s9 =	smul.u32 $0xF7A, s1;
	s8 =	simm.s32 @!p0 $0x1BF5;
	p2 =	por !p2, p0  }
0x20: {  	[sflag:s8] =	ssyncset.s32 @!p0 $0xFFFFF086;
	s6 =	sadd.s32 @!p0 s3, s7;
	s7 =	simm.s32 @!p0 $0x108  }
0x21: {  	s3 =	sadd.s32 s3, s9;
	s6 =	sadd.s32 @!p0 $0x88, s6;
	s7 =	simm.s32 @p2 $0x1082  }
0x22: {  	[simem:s7], [sflag:s8] =	dma.local @!p0 [hbm:s6], $0xF7A  }
0x23: {  	s9 =	sor.u32 $0xD0000000, s2;
	s6 =	simm.s32 $0x108;
	_ =	swait.ge @!p0 [sflag:s8], $0x0  }
0x24: {  	s3 =	sadd.s32 $0x88, s3;
	s6 =	simm.s32 @!p1 $0x1082;
	[sflag:s4] =	ssyncset.s32 $0xFFFFF086  }
0x25: {  	[simem:s6], [sflag:s4] =	dma.local [hbm:s3], $0xF7A  }
0x26: {  	[smem:$0x3F98] =	sst s1;
	(tag) =	ssettag s2;
	_ =	strace s9  }
0x27: {  	s1 =	sld [smem:$0x3FA8]  }
0x28: {  	s2 =	sld [smem:$0x3FA9]  }
0x29: {  	s4 =	sld [smem:$0x3FAB]  }
0x2a: {  	p0 =	seq.s32 s5, $0x0;
	s5 =	sld [smem:$0x3FAC]  }
0x2b: {  	s6 =	sld [smem:$0x3FAD]  }
0x2c: {  	s7 =	sld [smem:$0x3FAE]  }
0x2d: {  	s3 =	simm.s32 $0x108;
	s8 =	sld [smem:$0x3FAF]  }
0x2e: {  	s3 =	simm.s32 @!p0 $0x1082;
	s9 =	sld [smem:$0x3FB0]  }
0x2f: {  	lr =	sadd.s32 s0, s3;
	s0 =	sld [smem:$0x3FA7]  }
0x30: {  	s3 =	sld [smem:$0x3FAA]  }
0x31: {  	[smem:$0x3FB3] =	sst s10  }
0x32: {  	s10 =	sld [smem:$0x3FB1];
	_ =	sdelay $0x3  }
0x33: {  	p0 =	seq.s32 s10, $0x1;
	s10 =	sld [smem:$0x3FB3];
	_ =	sdelay $0x3  }
0x34: {  	[smem:$0x3FB3] =	sst s10  }
0x35: {  	s10 =	sld [smem:$0x3FB2];
	_ =	sdelay $0x3  }
0x36: {  	p1 =	seq.s32 s10, $0x1;
	s10 =	sld [smem:$0x3FB3];
	_ =	sdelay $0x3  }
0x37: {  	[smem:$0x3FB3] =	sst s10  }
0x38: {  	s10 =	sld [smem:$0x3FB4]  }
0x39: {  	_ = 	snop;
	(pc) =	sbr.ind lr, $3  }
0x3a: {  	_ = 	snop  }
0x3b: {  	_ = 	snop  }
0x3c: {  	p2 =	seq.s32 s10, $0x1;
	s10 =	sld [smem:$0x3FB3]  }
0x3d: {  	_ =	shalt  }
0x3e: {  	_ =	shalt  }
0x3f: {  	_ =	shalt  }
0x40: {  	_ =	shalt  }
0x41: {  	_ =	shalt  }
0x42: {  	_ =	shalt  }
0x43: {  	_ =	shalt  }
0x44: {  	_ =	shalt  }
0x45: {  	_ =	shalt  }
0x46: {  	_ =	shalt  }
0x47: {  	_ =	shalt  }
0x48: {  	_ =	shalt  }
0x49: {  	_ =	shalt  }
0x4a: {  	_ =	shalt  }
0x4b: {  	_ =	shalt  }
0x4c: {  	_ =	shalt  }
0x4d: {  	_ =	shalt  }
0x4e: {  	_ =	shalt  }
0x4f: {  	_ =	shalt  }
0x50: {  	_ =	shalt  }
0x51: {  	_ =	shalt  }
0x52: {  	_ =	shalt  }
0x53: {  	_ =	shalt  }
0x54: {  	_ =	shalt  }
0x55: {  	_ =	shalt  }
0x56: {  	_ =	shalt  }
0x57: {  	_ =	shalt  }
0x58: {  	_ =	shalt  }
0x59: {  	_ =	shalt  }
0x5a: {  	_ =	shalt  }
0x5b: {  	_ =	shalt  }
0x5c: {  	_ =	shalt  }
0x5d: {  	_ =	shalt  }
0x5e: {  	_ =	shalt  }
0x5f: {  	_ =	shalt  }
0x60: {  	_ =	shalt  }
0x61: {  	_ =	shalt  }
0x62: {  	_ =	shalt  }
0x63: {  	_ =	shalt  }
0x64: {  	_ =	shalt  }
0x65: {  	_ =	shalt  }
0x66: {  	_ =	shalt  }
0x67: {  	_ =	shalt  }
0x68: {  	_ =	shalt  }
0x69: {  	_ =	shalt  }
0x6a: {  	_ =	shalt  }
0x6b: {  	_ =	shalt  }
0x6c: {  	_ =	shalt  }
0x6d: {  	_ =	shalt  }
0x6e: {  	_ =	shalt  }
0x6f: {  	_ =	shalt  }
0x70: {  	_ =	shalt  }
0x71: {  	_ =	shalt  }
0x72: {  	_ =	shalt  }
0x73: {  	_ =	shalt  }
0x74: {  	_ =	shalt  }
0x75: {  	_ =	shalt  }
0x76: {  	_ =	shalt  }
0x77: {  	_ =	shalt  }
0x78: {  	_ =	shalt  }
0x79: {  	_ =	shalt  }
0x7a: {  	_ =	shalt  }
0x7b: {  	_ =	shalt  }
0x7c: {  	_ =	shalt  }
0x7d: {  	_ =	shalt  }
0x7e: {  	_ =	shalt  }
0x7f: {  	_ =	shalt  }
0x80: {  	_ =	shalt  }
0x81: {  	_ =	shalt  }
0x82: {  	_ =	shalt  }
0x83: {  	_ =	shalt  }
0x84: {  	_ =	shalt  }
0x85: {  	_ =	shalt  }
0x86: {  	_ =	shalt  }
0x87: {  	_ =	shalt  }
.Lfunc_end0:
.L_simem_size_0:
called_computation.1_lowered:
.L_overlay_start_0:
0x88: {  	s2 =	sld [smem:$0x3FD9]  }
0x89: {  	s3 =	sld [smem:$0x3FFE];
	_ =	sdelay $0x1  }
0x8a: {  	s1 =	srdreg.scid  }
0x8b: {  	s0 =	sand.u32 $0x1, s1  }
0x8c: {  	s14 =	sshll.u32 s0, $0xA;
	s2 =	sadd.s32 s3, s2  }
0x8d: {  	s2 =	sadd.s32 s2, s14  }
0x8e: {  	[smem:$0x3FBF] =	sst s2  }
0x8f: {  	_ = 	snop  }
0x90: {  	s2 =	sld [smem:$0x3FD0];
	_ =	sdelay $0x2  }
0x91: {  	s15 =	simm.s32 $0xA;
	s4 =	simm.s32 $0x10  }
0x92: {  	[smem:s4], [sflag:s15] =	dma.local [hbm:s2], $0x1  }
0x93: {  	_ =	swait.eq [sflag:s15], $0x1  }
0x94: {  	[sflag:s15] =	ssyncset.done $0x0  }
0x95: {  	[sflag:s15] =	ssyncadd.s32 $0xFFFFFFFF  }
0x96: {  	s16 =	sld [smem:$0x10];
	(tm) =	ssettm $0x1  }
0x97: {  	s17 =	sld [smem:$0x3FFB];
	_ =	sdelay $0x3  }
0x98: {  	_ =	strace s17  }
0x99: {  	s3 =	sld [smem:$0x3FFC];
	_ =	sdelay $0x3  }
0x9a: {  	_ =	strace s3  }
0x9b: {  	s3 =	sld [smem:$0x3FFD];
	_ =	sdelay $0x3  }
0x9c: {  	_ =	strace s3  }
0x9d: {  	_ =	strace $0x8FFFFFFF  }
0x9e: {  	s18 =	sld [smem:$0x3FDB];
	_ =	sdelay $0x1  }
0x9f: {  	s19 =	simm.s32 $_scs_section_size  }
0xa0: {  	s5 =	simm.s32 $_size__tile_overlayer_lowered;
	s6 =	simm.s32 $_tile_overlayer_lowered  }
0xa1: {  	s22 =	simm.s32 $0x1BFF;
	s21 =	sshll.u32 s6, $0x1;
	s3 =	sadd.s32 s19, s18  }
0xa2: {  	s7 =	simm.s32 $0x0;
	s20 =	sshll.u32 s5, $0x1;
	s5 =	sadd.s32 s21, s3  }
0xa3: {  	[timem:s7], [sflag:s22] =	dma.local [hbm:s5], s20  }
0xa4: {  	_ =	swait.ge [sflag:s22], s20  }
0xa5: {  	s4 =	ssub.s32 $0x0, s20;
	[sflag:s22] =	ssyncset.done $0x0  }
0xa6: {  	[sflag:s22] =	ssyncadd.s32 s4;
	_ =	sdelay $0x1  }
0xa7: {  	s23 =	simm.s32 $0x1B8B  }
0xa8: {  	_ =	swait.ge [sflag:s23], $0x1  }
0xa9: {  	[sflag:s23] =	ssyncset.done $0x0  }
0xaa: {  	s25 =	simm.s32 $0x1B8E;
	s24 =	sld [smem:$0x3FFE];
	[sflag:s23] =	ssyncadd.s32 $0xFFFFFFFF  }
0xab: {  	s26 =	simm.s32 $execute0_lowered;
	[smem:$0x3FD2] =	sst s25  }
0xac: {  	s5 =	sshll.u32 s26, $0x1;
	_ =	strace $0x80000049;
	[dreg:$0x1] =	wrdreg $0xFFFFFFFF  }
0xad: {  	s28 =	simm.s32 $_size_execute0_lowered;
	s3 =	sadd.s32 s3, s5;
	[dreg:$0x0] =	wrdreg $0x0  }
0xae: {  	s5 =	sshll.u32 s28, $0x1;
	[dreg:$0x2] =	wrdreg s3  }
0xaf: {  	[dreg:$0x3] =	wrdreg s5  }
0xb0: {  	[dreg:$0x4] =	wrdreg $0xC0  }
0xb1: {  	_ =	task [dreg:s7], $0x5FFFF  }
0xb2: {  	[dreg:$0x1] =	wrdreg $0xFFFFFFFF  }
0xb3: {  	[dreg:$0x0] =	wrdreg $0x60  }
0xb4: {  	[dreg:$0x2] =	wrdreg s24  }
0xb5: {  	[dreg:$0x3] =	wrdreg s16  }
0xb6: {  	[dreg:$0x4] =	wrdreg $0x9  }
0xb7: {  	_ =	task.clear_ibuf [dreg:s7], $0x5FFFF;
	_ =	strace $0x90000049  }
0xb8: {  	s29 =	simm.s32 $0x9;
	_ =	strace $0x8000004B  }
0xb9: {  	_ =	swait.ge [sflag:s29], $0x1  }
0xba: {  	[sflag:s29] =	ssyncadd.s32 $0xFFFFFFFF  }
0xbb: {  	_ =	strace $0x9000004B  }
0xbc: {  	_ =	sfence  }
0xbd: {  	s30 =	sld [smem:$0x0];
	_ =	sdelay $0x2  }
0xbe: {  	s31 =	sshll.u32 s1, $0xD;
	s1 =	sshrl.u32 s1, $0x2  }
0xbf: {  	s3 =	sand.u32 $0x4000, s31;
	s1 =	sadd.s32 s1, s30  }
0xc0: {  	s0 =	sor.u32 s3, s0;
	s1 =	sshll.u32 s1, $0x11  }
0xc1: {  	s0 =	sor.u32 s1, s0  }
0xc2: {  	s0 =	sadd.s32 $0x8F2B, s0  }
0xc3: {  	[sflag:s0] =	ssyncadd.remote.s32 $0x1  }
0xc4: {  	_ =	sfence.sel $0xFFFF  }
0xc5: {  	[dreg:$0x0] =	wrdreg $0xFFFFFFFF;
	(pc) =	sbr.abs _section_cstart, $3  }
0xc6: {  	[dreg:$0x1] =	wrdreg $0xFFFFFFFF  }
0xc7: {  	_ =	task.clear_ibuf [dreg:s7], $0x2FFFF;
	_ =	strace $0x9FFFFFFF  }
0xc8: {  	(tm) =	ssettm $0x7FFFFFFF  }
0xc9: {  	_ =	shalt  }
tec
execute0_lowered:
.L_overlay_start_1:
0x0: {  	(tag) =	ssettag $0x1  }
0x1: {  	s0 =	rddreg [dreg:$0x0]  }
0x2: {  	s1 =	rddreg [dreg:$0x1];
	s3 =	srdreg.scid;
	s2 =	simm.s32 $0x0  }
0x3: {  	s4 =	stileid.u32;
	s30 =	simm.s32 $0xF100;
	s31 =	simm.s32 $0xF900  }
0x4: {  	s16 =	simm.s32 $0x11100;
	s17 =	simm.s32 $0x11900;
	s18 =	simm.s32 $0x1  }
0x5: {  	s19 =	simm.s32 $0x2;
	s20 =	simm.s32 $0xC100;
	s21 =	simm.s32 $0x3  }
0x6: {  	s22 =	simm.s32 $0x4;
	s5 =	sand.u32 $0x1, s3;
	[smem:$0x7FF] =	sst s2  }
0x7: {  	s23 =	sshll.u32 s4, $0x8;
	s3 =	sadd.s32 $0x1E3C00, s0;
	s12 =	sadd.s32 $0x1E3F00, s0  }
0x8: {  	s24 =	sshll.u32 s5, $0x7;
	_ =	strace $0x8000004A;
	s7 =	ssub.s32 $0x2, s5  }
0x9: {  	s5 =	sadd.s32 $0x22C00, s0;
	s6 =	sor.u32 s24, s23;
	s10 =	sshrl.u32 s7, $0x1  }
0xa: {  	s23 =	simm.s32 $0x12100;
	s4 =	sshrl.u32 s6, $0x3;
	s9 =	sshll.u32 s6, $0x4  }
0xb: {  	s7 =	ssub.s32 s7, s10;
	s10 =	sadd.s32 $0x1E3D00, s0;
	s28 =	sshll.u32 s6, $0x7  }
0xc: {  	s8 =	sadd.s32 s4, s0;
	s11 =	sadd.s32 s9, s0;
	s1 =	sadd.s32 s1, s9  }
.Ltmp0:
0xd: {  	s29 =	smax.u32 s7, $0x1;
	[dreg:$0x5] =	wrdreg s1;
	(pc) =	sbr.rel .LBB2_1-.Ltmp0, $4  }
0xe: {  	s13 =	sadd.s32 s5, s28;
	s25 =	sadd.s32 $0x22800, s8;
	[dreg:$0x7] =	wrdreg s29  }
0xf: {  	v0 =	vlaneseq.u32;
	s8 =	sadd.s32 $0x22A00, s8;
	s26 =	sadd.s32 $0x12800, s11;
	[dreg:$0x3] =	wrdreg s25  }
0x10: {  	v1 =	vshrl.u32 v0, $0x3;
	s11 =	sadd.s32 $0x1E3E00, s0;
	s0 =	simm.s32 $0x10100;
	[dreg:$0x4] =	wrdreg s8  }
0x11: {  	vm0 =	vmmov $0xffff;
	v0 =	vand.u32 $0x7, v0;
	v1 =	vmul.u32 $0x8, v1;
	s1 =	simm.s32 $0x10900;
	[dreg:$0x6] =	wrdreg s26;
	s8 =	simm.s32 $0x0  }
.LBB2_12:
0x12: {  	s6 =	simm.s32 $0x5  }
0x13: {  	_ =	swait.ge [sflag:s6], $0x2000  }
0x14: {  	[sflag:s6] =	ssyncset.done $0x0  }
0x15: {  	s7 =	simm.s32 $0x6;
	[sflag:s6] =	ssyncadd.s32 $0xFFFFE000  }
0x16: {  	_ =	swait.ge [sflag:s7], $0x2000  }
0x17: {  	s8 =	rddreg [dreg:$0x8]  }
0x18: {  	s29 =	rddreg [dreg:$0x7];
	s8 =	sadd.s32 $0x1, s8  }
0x19: {  	p0 =	sne.s32 s8, s29  }
.Ltmp1:
0x1a: {  	_ = 	snop;
	(pc) =	sbr.rel @!p0 .LBB2_13-.Ltmp1, $3  }
0x1b: {  	_ =	sdelay $0x1  }
0x1c: {  	[sflag:s7] =	ssyncset.done $0x0  }
0x1d: {  	[sflag:s7] =	ssyncadd.s32 $0xFFFFE000  }
.LBB2_1:
0x1e: {  	[dreg:$0x8] =	wrdreg s8  }
0x1f: {  	s6 =	rddreg [dreg:$0x3];
	s7 =	simm.s32 $0x7  }
0x20: {  	[tilespmem:s2], [sflag:$0x7] =	stream.linear.gather [hbm4b:s6+s2], $0x80, $0x38;
	[tilespmem:$0x14100] =	vst v63  }
0x21: {  	_ =	swait.ge [sflag:s7], $0x80  }
0x22: {  	[sflag:s7] =	ssyncset.done $0x0  }
0x23: {  	s24 =	simm.s32 $0x80;
	s15 =	rddreg [dreg:$0x4];
	[sflag:s7] =	ssyncadd.s32 $0xFFFFFF80  }
0x24: {  	[tilespmem:s24], [sflag:$0x7] =	stream.linear.gather [hbm4b:s15+s2], $0x80, $0x38;
	[tilespmem:$0x14100] =	vst v63  }
0x25: {  	_ =	swait.ge [sflag:s7], $0x80  }
0x26: {  	[sflag:s7] =	ssyncset.done $0x0  }
0x27: {  	s26 =	simm.s32 $0x100;
	s25 =	rddreg [dreg:$0x5];
	[sflag:s7] =	ssyncadd.s32 $0xFFFFFF80  }
0x28: {  	[tilespmem:s26], [sflag:$0x7] =	stream.linear.gather [hbm4b:s25+s2], $0x4000, $0x38;
	[tilespmem:$0x14100] =	vst v63  }
0x29: {  	_ =	swait.ge [sflag:s7], $0x4000  }
0x2a: {  	[sflag:s7] =	ssyncset.done $0x0  }
0x2b: {  	s29 =	simm.s32 $0x4100;
	s28 =	rddreg [dreg:$0x6];
	[sflag:s7] =	ssyncadd.s32 $0xFFFFC000  }
0x2c: {  	[tilespmem:s29], [sflag:$0x7] =	stream.linear.gather [hbm4b:s28+s2], $0x4000, $0x38;
	[tilespmem:$0x14100] =	vst v63  }
0x2d: {  	_ =	swait.ge [sflag:s7], $0x4000  }
0x2e: {  	[sflag:s7] =	ssyncset.done $0x0  }
0x2f: {  	[sflag:s7] =	ssyncadd.s32 $0xFFFFC000  }
0x30: {  	v2 =	vld.msk [tilespmem:$0x0], $0xff;
	_ =	sdelay $0x4  }
0x31: {  	v3 =	vshll.u32 v2, $0x3  }
0x32: {  	v2 =	vand.u32 $0x7, v2;
	v3 =	vand.u32 $0xFFFFFFC0, v3  }
0x33: {  	v2 =	vor.u32 v2, v3  }
0x34: {  	v2 =	vperm.xlane v2, v0;
	_ =	sdelay $0x1  }
0x35: {  	v2 =	vadd.s32 v1, v2;
	_ =	sdelay $0x3  }
0x36: {  	s7 =	simm.s32 $0x8100  }
0x37: {  	[tilespmem:s7], [sflag:$0x1] =	stream.indirect_vreg.gather [hbm4b:s3+s2], $0x80, v2, vm0, $0xb8;
	[tilespmem:$0x14100] =	vst v63  }
0x38: {  	s8 =	simm.s32 $0x8900  }
0x39: {  	[tilespmem:s8], [sflag:$0x1] =	stream.indirect_vreg.gather [hbm4b:s10+s2], $0x80, v2, vm0, $0xb8;
	[tilespmem:$0x14100] =	vst v63  }
0x3a: {  	s9 =	simm.s32 $0x9100  }
0x3b: {  	[tilespmem:s9], [sflag:$0x1] =	stream.indirect_vreg.gather [hbm4b:s11+s2], $0x80, v2, vm0, $0xb8;
	[tilespmem:$0x14100] =	vst v63  }
0x3c: {  	s14 =	simm.s32 $0x9900  }
0x3d: {  	[tilespmem:s14], [sflag:$0x1] =	stream.indirect_vreg.gather [hbm4b:s12+s2], $0x80, v2, vm0, $0xb8;
	[tilespmem:$0x14100] =	vst v63  }
0x3e: {  	v2 =	vld.msk [tilespmem:$0x80], $0xff;
	_ =	sdelay $0x4  }
0x3f: {  	v3 =	vshll.u32 v2, $0x3  }
0x40: {  	v2 =	vand.u32 $0x7, v2;
	v3 =	vand.u32 $0xFFFFFFC0, v3  }
0x41: {  	v2 =	vor.u32 v2, v3  }
0x42: {  	v2 =	vperm.xlane v2, v0;
	_ =	sdelay $0x1  }
0x43: {  	v2 =	vadd.s32 v1, v2;
	_ =	sdelay $0x3  }
0x44: {  	s15 =	simm.s32 $0xA100  }
0x45: {  	[tilespmem:s15], [sflag:$0x2] =	stream.indirect_vreg.gather [hbm4b:s3+s2], $0x80, v2, vm0, $0xb8;
	[tilespmem:$0x14100] =	vst v63  }
0x46: {  	s24 =	simm.s32 $0xA900  }
0x47: {  	[tilespmem:s24], [sflag:$0x2] =	stream.indirect_vreg.gather [hbm4b:s10+s2], $0x80, v2, vm0, $0xb8;
	[tilespmem:$0x14100] =	vst v63  }
0x48: {  	s25 =	simm.s32 $0xB100  }
0x49: {  	[tilespmem:s25], [sflag:$0x2] =	stream.indirect_vreg.gather [hbm4b:s11+s2], $0x80, v2, vm0, $0xb8;
	[tilespmem:$0x14100] =	vst v63  }
0x4a: {  	s26 =	simm.s32 $0xB900  }
0x4b: {  	[tilespmem:s26], [sflag:$0x2] =	stream.indirect_vreg.gather [hbm4b:s12+s2], $0x80, v2, vm0, $0xb8;
	[tilespmem:$0x14100] =	vst v63  }
0x4c: {  	v2 =	vld.msk [tilespmem:$0x8], $0xff;
	_ =	sdelay $0x4  }
0x4d: {  	v3 =	vshll.u32 v2, $0x3  }
0x4e: {  	v2 =	vand.u32 $0x7, v2;
	v3 =	vand.u32 $0xFFFFFFC0, v3  }
0x4f: {  	v2 =	vor.u32 v2, v3  }
0x50: {  	v2 =	vperm.xlane v2, v0;
	_ =	sdelay $0x1  }
0x51: {  	v2 =	vadd.s32 v1, v2;
	_ =	sdelay $0x3  }
0x52: {  	s28 =	simm.s32 $0xE100  }
0x53: {  	[tilespmem:s28], [sflag:$0x3] =	stream.indirect_vreg.gather [hbm4b:s3+s2], $0x80, v2, vm0, $0xb8;
	[tilespmem:$0x14100] =	vst v63  }
0x54: {  	s29 =	simm.s32 $0xE900  }
0x55: {  	[tilespmem:s29], [sflag:$0x3] =	stream.indirect_vreg.gather [hbm4b:s10+s2], $0x80, v2, vm0, $0xb8;
	[tilespmem:$0x14100] =	vst v63  }
0x56: {  	_ = 	snop  }
0x57: {  	[tilespmem:s30], [sflag:$0x3] =	stream.indirect_vreg.gather [hbm4b:s11+s2], $0x80, v2, vm0, $0xb8;
	[tilespmem:$0x14100] =	vst v63  }
0x58: {  	s6 =	simm.s32 $0x0;
	s8 =	simm.s32 $0x88  }
0x59: {  	[tilespmem:s31], [sflag:$0x3] =	stream.indirect_vreg.gather [hbm4b:s12+s2], $0x80, v2, vm0, $0xb8;
	[tilespmem:$0x14100] =	vst v63  }
.LBB2_2:
0x5a: {  	v2 =	vld.msk [tilespmem:s8+$0x0], $0xff;
	_ =	sdelay $0x4  }
0x5b: {  	v3 =	vshll.u32 v2, $0x3  }
0x5c: {  	v2 =	vand.u32 $0x7, v2;
	v3 =	vand.u32 $0xFFFFFFC0, v3  }
0x5d: {  	v2 =	vor.u32 v2, v3  }
0x5e: {  	v2 =	vperm.xlane v2, v0;
	_ =	sdelay $0x1  }
0x5f: {  	v2 =	vadd.s32 v1, v2;
	_ =	sdelay $0x4  }
0x60: {  	[tilespmem:s0], [sflag:$0x4] =	stream.indirect_vreg.gather [hbm4b:s3+s2], $0x80, v2, vm0, $0xb8;
	[tilespmem:$0x14100] =	vst v63  }
0x61: {  	_ = 	snop  }
0x62: {  	[tilespmem:s1], [sflag:$0x4] =	stream.indirect_vreg.gather [hbm4b:s10+s2], $0x80, v2, vm0, $0xb8;
	[tilespmem:$0x14100] =	vst v63  }
0x63: {  	_ = 	snop  }
0x64: {  	[tilespmem:s16], [sflag:$0x4] =	stream.indirect_vreg.gather [hbm4b:s11+s2], $0x80, v2, vm0, $0xb8;
	[tilespmem:$0x14100] =	vst v63  }
0x65: {  	_ = 	snop  }
0x66: {  	[tilespmem:s17], [sflag:$0x4] =	stream.indirect_vreg.gather [hbm4b:s12+s2], $0x80, v2, vm0, $0xb8;
	[tilespmem:$0x14100] =	vst v63  }
0x67: {  	_ =	swait.ge [sflag:s18], $0x2000  }
0x68: {  	[sflag:s18] =	ssyncset.done $0x0  }
0x69: {  	[sflag:s18] =	ssyncadd.s32 $0xFFFFE000  }
0x6a: {  	_ =	swait.ge [sflag:s19], $0x2000  }
0x6b: {  	p0 =	seq.s32 s6, $0x0;
	[sflag:s19] =	ssyncset.done $0x0  }
0x6c: {  	s9 =	simm.s32 @!p0 $0x5;
	[sflag:s19] =	ssyncadd.s32 $0xFFFFE000  }
0x6d: {  	_ =	swait.ge @!p0 [sflag:s9], $0x2000  }
0x6e: {  	s7 =	sshll.u32 s6, $0x1;
	s8 =	sshll.u32 s6, $0xB;
	[sflag:s9] =	ssyncset.done @!p0 $0x0  }
0x6f: {  	s14 =	simm.s32 $0x0;
	v2 =	vmov s8;
	[sflag:s9] =	ssyncadd.s32 @!p0 $0xFFFFE000;
	s9 =	simm.s32 $0x0  }
.LBB2_3:
0x70: {  	_ =	sdelay $0x1  }
0x71: {  	s15 =	sand.u32 $0x38, s9  }
0x72: {  	s24 =	sshll.u32 s14, $0x7;
	s15 =	sadd.s32 s14, s15  }
0x73: {  	s25 =	sand.u32 $0x70, s9;
	v3 =	vld.idx.msk [tilespmem:v2+s24+$0x100 ss:$0x1], $0xffff;
	s15 =	sshll.u32 s15, $0x7  }
0x74: {  	v4 =	vld.idx.msk [tilespmem:v2+s24+$0x4100 ss:$0x1], $0xffff;
	s24 =	sor.u32 s25, s15  }
0x75: {  	v6 =	vld [tilespmem:s24+$0x8100]  }
0x76: {  	s28 =	simm.s32 $0x1;
	v8 =	vld [tilespmem:s24+$0xA100]  }
0x77: {  	s29 =	sand.u32 $0x38, s28  }
0x78: {  	s15 =	simm.s32 $0x10;
	s25 =	sadd.s32 s14, s29  }
0x79: {  	s26 =	sand.u32 $0x70, s15;
	s25 =	sshll.u32 s25, $0x7  }
0x7a: {  	s25 =	sor.u32 s26, s25  }
0x7b: {  	v5 =	vld [tilespmem:s25+$0x8100];
	v7 =	vmul.f32 v6, v3;
	v8 =	vmul.f32 v8, v4  }
0x7c: {  	s26 =	simm.s32 $0x2;
	v6 =	vld [tilespmem:s25+$0xA100]  }
.LBB2_4:
0x7d: {  	s28 =	sand.u32 $0x38, s26;
	s15 =	sadd.s32 $0x10, s15;
	v7 =	vadd.f32 v8, v7;
	p1 =	sne.s32 s26, $0x3F  }
.Ltmp2:
0x7e: {  	s26 =	sadd.s32 $0x1, s26;
	s28 =	sadd.s32 s14, s28;
	(pc) =	sbr.rel @p1 .LBB2_4-.Ltmp2, $4  }
0x7f: {  	s29 =	sand.u32 $0x70, s15;
	s28 =	sshll.u32 s28, $0x7;
	[tilespmem:s24+$0xC100] =	vst v7;
	s24 =	smov.u32 s25  }
0x80: {  	s25 =	sor.u32 s29, s28  }
0x81: {  	v7 =	vmul.f32 v5, v3;
	v5 =	vld [tilespmem:s25+$0x8100];
	v8 =	vmul.f32 v6, v4  }
0x82: {  	v6 =	vld [tilespmem:s25+$0xA100]  }
0x83: {  	_ =	sdelay $0x1  }
0x84: {  	s14 =	sadd.s32 $0x1, s14  }
0x85: {  	p1 =	sne.s32 s14, $0x8  }
.Ltmp3:
0x86: {  	v3 =	vmul.f32 v5, v3;
	v4 =	vmul.f32 v6, v4;
	(pc) =	sbr.rel @p1 .LBB2_3-.Ltmp3, $4  }
0x87: {  	v63 =	vadd.f32 v8, v7  }
0x88: {  	v3 =	vadd.f32 v4, v3  }
0x89: {  	[tilespmem:s24+$0xC100] =	vst v63  }
0x8a: {  	[tilespmem:s25+$0xC100] =	vst v3  }
0x8b: {  	s8 =	sadd.s32 s8, s13;
	p1 =	seq.s32 s6, $0x7  }
0x8c: {  	[hbm4b:s8+s2] =	stream.linear.scatter [tilespmem:s20], [sflag:$0x5], $0x2000, $0x38;
	[tilespmem:$0x14100] =	vst v63  }
0x8d: {  	s8 =	sshll.u32 @!p1 s6, $0x4  }
0x8e: {  	v2 =	vld.msk @!p1 [tilespmem:s8+$0x10], $0xff;
	_ =	sdelay $0x4  }
0x8f: {  	v3 =	vshll.u32 @!p1 v2, $0x3  }
0x90: {  	v4 =	vlaneseq.u32 @!p1;
	v2 =	vand.u32 @!p1 $0x7, v2;
	v3 =	vand.u32 @!p1 $0xFFFFFFC0, v3  }
0x91: {  	v2 =	vor.u32 @!p1 v2, v3;
	v3 =	vand.u32 @!p1 $0x7, v4;
	v4 =	vshrl.u32 @!p1 v4, $0x3  }
0x92: {  	v2 =	vperm.xlane @!p1 v2, v3;
	v4 =	vmul.u32 @!p1 $0x8, v4;
	_ =	sdelay $0x1  }
0x93: {  	v2 =	vadd.s32 @!p1 v4, v2;
	_ =	sdelay $0x3  }
0x94: {  	vm1 =	vmmov @!p1 $0xffff;
	s9 =	simm.s32 @!p1 $0x0;
	s14 =	simm.s32 @!p1 $0x8100  }
0x95: {  	[tilespmem:s14], [sflag:$0x1] =	stream.indirect_vreg.gather @!p1 [hbm4b:s3+s9], $0x80, v2, vm1, $0xb8;
	[tilespmem:$0x14100] =	vst v63  }
0x96: {  	s14 =	simm.s32 @!p1 $0x8900  }
0x97: {  	[tilespmem:s14], [sflag:$0x1] =	stream.indirect_vreg.gather @!p1 [hbm4b:s10+s9], $0x80, v2, vm1, $0xb8;
	[tilespmem:$0x14100] =	vst v63  }
0x98: {  	s14 =	simm.s32 @!p1 $0x9100  }
0x99: {  	[tilespmem:s14], [sflag:$0x1] =	stream.indirect_vreg.gather @!p1 [hbm4b:s11+s9], $0x80, v2, vm1, $0xb8;
	[tilespmem:$0x14100] =	vst v63  }
0x9a: {  	s14 =	simm.s32 @!p1 $0x9900  }
0x9b: {  	[tilespmem:s14], [sflag:$0x1] =	stream.indirect_vreg.gather @!p1 [hbm4b:s12+s9], $0x80, v2, vm1, $0xb8;
	[tilespmem:$0x14100] =	vst v63  }
0x9c: {  	v2 =	vld.msk @!p1 [tilespmem:s8+$0x90], $0xff;
	_ =	sdelay $0x4  }
0x9d: {  	v5 =	vshll.u32 @!p1 v2, $0x3  }
0x9e: {  	v2 =	vand.u32 @!p1 $0x7, v2;
	v5 =	vand.u32 @!p1 $0xFFFFFFC0, v5  }
0x9f: {  	v2 =	vor.u32 @!p1 v2, v5  }
0xa0: {  	v2 =	vperm.xlane @!p1 v2, v3;
	_ =	sdelay $0x1  }
0xa1: {  	v2 =	vadd.s32 @!p1 v4, v2;
	_ =	sdelay $0x3  }
0xa2: {  	s8 =	simm.s32 @!p1 $0xA100  }
0xa3: {  	[tilespmem:s8], [sflag:$0x2] =	stream.indirect_vreg.gather @!p1 [hbm4b:s3+s9], $0x80, v2, vm1, $0xb8;
	[tilespmem:$0x14100] =	vst v63  }
0xa4: {  	s8 =	simm.s32 @!p1 $0xA900  }
0xa5: {  	[tilespmem:s8], [sflag:$0x2] =	stream.indirect_vreg.gather @!p1 [hbm4b:s10+s9], $0x80, v2, vm1, $0xb8;
	[tilespmem:$0x14100] =	vst v63  }
0xa6: {  	s8 =	simm.s32 @!p1 $0xB100  }
0xa7: {  	[tilespmem:s8], [sflag:$0x2] =	stream.indirect_vreg.gather @!p1 [hbm4b:s11+s9], $0x80, v2, vm1, $0xb8;
	[tilespmem:$0x14100] =	vst v63  }
0xa8: {  	s8 =	simm.s32 @!p1 $0xB900  }
0xa9: {  	[tilespmem:s8], [sflag:$0x2] =	stream.indirect_vreg.gather @!p1 [hbm4b:s12+s9], $0x80, v2, vm1, $0xb8;
	[tilespmem:$0x14100] =	vst v63  }
0xaa: {  	_ =	swait.ge [sflag:s21], $0x2000  }
0xab: {  	[sflag:s21] =	ssyncset.done $0x0  }
0xac: {  	[sflag:s21] =	ssyncadd.s32 $0xFFFFE000  }
0xad: {  	_ =	swait.ge [sflag:s22], $0x2000  }
0xae: {  	[sflag:s22] =	ssyncset.done $0x0  }
0xaf: {  	s9 =	simm.s32 @!p0 $0x6;
	[sflag:s22] =	ssyncadd.s32 $0xFFFFE000  }
0xb0: {  	s8 =	sor.u32 $0x1, s7;
	_ =	swait.ge @!p0 [sflag:s9], $0x2000  }
0xb1: {  	s14 =	simm.s32 $0x0;
	s29 =	sshll.u32 s8, $0xA;
	[sflag:s9] =	ssyncset.done @!p0 $0x0  }
0xb2: {  	s7 =	sadd.s32 $0x1, s6;
	v2 =	vmov s29;
	[sflag:s9] =	ssyncadd.s32 @!p0 $0xFFFFE000;
	s9 =	simm.s32 $0x0  }
.LBB2_7:
0xb3: {  	_ =	sdelay $0x1  }
0xb4: {  	s15 =	sand.u32 $0x38, s9  }
0xb5: {  	s24 =	sshll.u32 s14, $0x7;
	s15 =	sadd.s32 s14, s15  }
0xb6: {  	s25 =	sand.u32 $0x70, s9;
	v3 =	vld.idx.msk [tilespmem:v2+s24+$0x100 ss:$0x1], $0xffff;
	s15 =	sshll.u32 s15, $0x7  }
0xb7: {  	v4 =	vld.idx.msk [tilespmem:v2+s24+$0x4100 ss:$0x1], $0xffff;
	s24 =	sor.u32 s25, s15  }
0xb8: {  	v6 =	vld [tilespmem:s24+$0xE100]  }
0xb9: {  	s28 =	simm.s32 $0x1;
	v8 =	vld [tilespmem:s24+$0x10100]  }
0xba: {  	s29 =	sand.u32 $0x38, s28  }
0xbb: {  	s15 =	simm.s32 $0x10;
	s25 =	sadd.s32 s14, s29  }
0xbc: {  	s26 =	sand.u32 $0x70, s15;
	s25 =	sshll.u32 s25, $0x7  }
0xbd: {  	s25 =	sor.u32 s26, s25  }
0xbe: {  	v5 =	vld [tilespmem:s25+$0xE100];
	v7 =	vmul.f32 v6, v3;
	v8 =	vmul.f32 v8, v4  }
0xbf: {  	s26 =	simm.s32 $0x2;
	v6 =	vld [tilespmem:s25+$0x10100]  }
.LBB2_8:
0xc0: {  	s28 =	sand.u32 $0x38, s26;
	s15 =	sadd.s32 $0x10, s15;
	v7 =	vadd.f32 v8, v7;
	p0 =	sne.s32 s26, $0x3F  }
.Ltmp4:
0xc1: {  	s26 =	sadd.s32 $0x1, s26;
	s28 =	sadd.s32 s14, s28;
	(pc) =	sbr.rel @p0 .LBB2_8-.Ltmp4, $4  }
0xc2: {  	s29 =	sand.u32 $0x70, s15;
	s28 =	sshll.u32 s28, $0x7;
	[tilespmem:s24+$0x12100] =	vst v7;
	s24 =	smov.u32 s25  }
0xc3: {  	s25 =	sor.u32 s29, s28  }
0xc4: {  	v7 =	vmul.f32 v5, v3;
	v5 =	vld [tilespmem:s25+$0xE100];
	v8 =	vmul.f32 v6, v4  }
0xc5: {  	v6 =	vld [tilespmem:s25+$0x10100]  }
0xc6: {  	_ =	sdelay $0x1  }
0xc7: {  	s14 =	sadd.s32 $0x1, s14  }
0xc8: {  	p0 =	sne.s32 s14, $0x8  }
.Ltmp5:
0xc9: {  	v3 =	vmul.f32 v5, v3;
	v4 =	vmul.f32 v6, v4;
	(pc) =	sbr.rel @p0 .LBB2_7-.Ltmp5, $4  }
0xca: {  	v63 =	vadd.f32 v8, v7  }
0xcb: {  	v3 =	vadd.f32 v4, v3  }
0xcc: {  	[tilespmem:s24+$0x12100] =	vst v63  }
0xcd: {  	[tilespmem:s25+$0x12100] =	vst v3  }
.Ltmp6:
0xce: {  	(pc) =	sbr.rel @p1 .LBB2_12-.Ltmp6, $4  }
0xcf: {  	s8 =	sadd.s32 s4, s8  }
0xd0: {  	s8 =	sshll.u32 s8, $0xA  }
0xd1: {  	s8 =	sadd.s32 s5, s8  }
0xd2: {  	[hbm4b:s8+s2] =	stream.linear.scatter [tilespmem:s23], [sflag:$0x6], $0x2000, $0x38;
	[tilespmem:$0x14100] =	vst v63  }
0xd3: {  	s6 =	sshll.u32 s6, $0x4  }
0xd4: {  	v2 =	vld.msk [tilespmem:s6+$0x18], $0xff;
	_ =	sdelay $0x4  }
0xd5: {  	v3 =	vshll.u32 v2, $0x3  }
0xd6: {  	v2 =	vand.u32 $0x7, v2;
	v3 =	vand.u32 $0xFFFFFFC0, v3  }
0xd7: {  	v2 =	vor.u32 v2, v3  }
0xd8: {  	v2 =	vperm.xlane v2, v0;
	_ =	sdelay $0x1  }
0xd9: {  	v2 =	vadd.s32 v1, v2;
	_ =	sdelay $0x3  }
0xda: {  	s8 =	simm.s32 $0xE100  }
0xdb: {  	[tilespmem:s8], [sflag:$0x3] =	stream.indirect_vreg.gather [hbm4b:s3+s2], $0x80, v2, vm0, $0xb8;
	[tilespmem:$0x14100] =	vst v63  }
0xdc: {  	s29 =	simm.s32 $0xE900  }
0xdd: {  	[tilespmem:s29], [sflag:$0x3] =	stream.indirect_vreg.gather [hbm4b:s10+s2], $0x80, v2, vm0, $0xb8;
	[tilespmem:$0x14100] =	vst v63  }
.Ltmp7:
0xde: {  	_ = 	snop;
	(pc) =	sbr.rel .LBB2_2-.Ltmp7, $4  }
0xdf: {  	_ = 	snop  }
0xe0: {  	[tilespmem:s30], [sflag:$0x3] =	stream.indirect_vreg.gather [hbm4b:s11+s2], $0x80, v2, vm0, $0xb8;
	[tilespmem:$0x14100] =	vst v63  }
0xe1: {  	s8 =	sadd.s32 $0x98, s6;
	s6 =	smov.u32 s7  }
0xe2: {  	[tilespmem:s31], [sflag:$0x3] =	stream.indirect_vreg.gather [hbm4b:s12+s2], $0x80, v2, vm0, $0xb8;
	[tilespmem:$0x14100] =	vst v63  }
.LBB2_13:
0xe3: {  	_ =	sfence.sel $0x180000  }
0xe4: {  	[bflag:$0x0] =	sbarrier.arrive $0xFFFF  }
0xe5: {  	_ =	strace $0x9000004A  }
0xe6: {  	s0 =	stileid.u32;
	[bflag:$0x2] =	sbarrier.arrive $0xFFFF  }
0xe7: {  	p0 =	sne.s32 s0, $0x0;
	s0 =	rddreg [dreg:$0x2]  }
0xe8: {  	s0 =	sadd.s32 @!p0 $0x100000, s0  }
0xe9: {  	[sflag:s0] =	ssyncadd.tile.s32 @!p0 $0x1;
	_ =	shalt  }
.Lfunc_end2:
_tile_overlayer_lowered:
.L_overlay_start_2:
0xea: {  	(tag) =	ssettag $0x2  }
0xeb: {  	s0 =	rddreg [dreg:$0x0];
	s2 =	stileid.u32  }
0xec: {  	s1 =	rddreg [dreg:$0x1];
	p0 =	sne.s32 s2, $0x0  }
0xed: {  	s3 =	rddreg [dreg:$0x2];
	[bflag:$0x3] =	sbarrier.arrive $0xFFFF;
	s2 =	simm.s32 @!p0 $0x1C07  }
0xee: {  	[timem:s3], [sflag:s2] =	dma.local @!p0 [hbm:s0], s1  }
0xef: {  	s0 =	simm.s32 @!p0 $0x7  }
0xf0: {  	_ =	swait.ge @!p0 [sflag:s0], s1  }
0xf1: {  	s1 =	ssub.s32 @!p0 $0x0, s1;
	[sflag:s0] =	ssyncset.done @!p0 $0x0  }
0xf2: {  	[sflag:s0] =	ssyncadd.s32 @!p0 s1  }
0xf3: {  	[bflag:$0x3] =	sbarrier.arrive $0xFFFF  }
0xf4: {  	_ =	shalt  }

// kernel: kernel.7.cloned.1.call-start
scs
__scs_entry_jumppad:
0x0: {  	(pc) =	sbr.rel $0x88, $3  }
0x1: {  	(tag) =	ssettag $0x0;
	lr =	simm.s32 $0x1  }
0x2: {  	[smem:$0x3F98] =	sst lr;
	_ =	strace $0xD0000000  }
0x3: {  	_ = 	snop  }
0x4: {  	_ = 	snop  }
0x5: {  	_ = 	snop  }
0x6: {  	_ = 	snop  }
0x7: {  	_ = 	snop  }
__scs_overlays_trampoline_lowered:
0x8: {  	[smem:$0x3FA7] =	sst s0  }
0x9: {  	[smem:$0x3FA8] =	sst s1  }
0xa: {  	[smem:$0x3FA9] =	sst s2  }
0xb: {  	[smem:$0x3FAA] =	sst s3  }
0xc: {  	[smem:$0x3FAB] =	sst s4  }
0xd: {  	[smem:$0x3FAC] =	sst s5  }
0xe: {  	[smem:$0x3FAD] =	sst s6  }
0xf: {  	[smem:$0x3FAE] =	sst s7  }
0x10: {  	[smem:$0x3FAF] =	sst s8  }
0x11: {  	[smem:$0x3FB0] =	sst s9;
	s0 =	simm.s32 @!p0 $0x0  }
0x12: {  	s1 =	sld [smem:$0x3F96];
	s0 =	simm.s32 @p0 $0x1  }
0x13: {  	[smem:$0x3FB1] =	sst s0;
	s0 =	simm.s32 @!p1 $0x0  }
0x14: {  	s2 =	sld [smem:$0x3F95];
	s0 =	simm.s32 @p1 $0x1  }
0x15: {  	[smem:$0x3FB2] =	sst s0;
	s0 =	simm.s32 @!p2 $0x0  }
0x16: {  	s3 =	sld [smem:$0x3FDB];
	s0 =	simm.s32 @p2 $0x1  }
0x17: {  	s4 =	simm.s32 $0x1BF5;
	[smem:$0x3FB4] =	sst s0  }
0x18: {  	s0 =	sld [smem:$0x3F97];
	_ =	swait.ge [sflag:s4], $0x0  }
0x19: {  	s7 =	sld [smem:$0x3F98]  }
0x1a: {  	s8 =	sadd.s32 $0xFFFFE003, lr  }
0x1b: {  	s9 =	sadd.s32 $0xFFFFFEF7, lr;
	s5 =	simm.s32 $0xFFFFFFFF;
	p2 =	slt.u32 s8, $0xFFFFF086  }
0x1c: {  	p1 =	slt.u32 s9, $0xF7A;
	s5 =	simm.s32 @!p2 $0x0  }
0x1d: {  	s5 =	simm.s32 @p1 $0x1;
	p0 =	seq.s32 s7, s2  }
0x1e: {  	s7 =	smul.u32 @!p0 $0xF7A, s2;
	p2 =	seq.s32 @!p0 s5, $0x0  }
0x1f: {  	s9 =	smul.u32 $0xF7A, s1;
	s8 =	simm.s32 @!p0 $0x1BF5;
	p2 =	por !p2, p0  }
0x20: {  	[sflag:s8] =	ssyncset.s32 @!p0 $0xFFFFF086;
	s6 =	sadd.s32 @!p0 s3, s7;
	s7 =	simm.s32 @!p0 $0x108  }
0x21: {  	s3 =	sadd.s32 s3, s9;
	s6 =	sadd.s32 @!p0 $0x88, s6;
	s7 =	simm.s32 @p2 $0x1082  }
0x22: {  	[simem:s7], [sflag:s8] =	dma.local @!p0 [hbm:s6], $0xF7A  }
0x23: {  	s9 =	sor.u32 $0xD0000000, s2;
	s6 =	simm.s32 $0x108;
	_ =	swait.ge @!p0 [sflag:s8], $0x0  }
0x24: {  	s3 =	sadd.s32 $0x88, s3;
	s6 =	simm.s32 @!p1 $0x1082;
	[sflag:s4] =	ssyncset.s32 $0xFFFFF086  }
0x25: {  	[simem:s6], [sflag:s4] =	dma.local [hbm:s3], $0xF7A  }
0x26: {  	[smem:$0x3F98] =	sst s1;
	(tag) =	ssettag s2;
	_ =	strace s9  }
0x27: {  	s1 =	sld [smem:$0x3FA8]  }
0x28: {  	s2 =	sld [smem:$0x3FA9]  }
0x29: {  	s4 =	sld [smem:$0x3FAB]  }
0x2a: {  	p0 =	seq.s32 s5, $0x0;
	s5 =	sld [smem:$0x3FAC]  }
0x2b: {  	s6 =	sld [smem:$0x3FAD]  }
0x2c: {  	s7 =	sld [smem:$0x3FAE]  }
0x2d: {  	s3 =	simm.s32 $0x108;
	s8 =	sld [smem:$0x3FAF]  }
0x2e: {  	s3 =	simm.s32 @!p0 $0x1082;
	s9 =	sld [smem:$0x3FB0]  }
0x2f: {  	lr =	sadd.s32 s0, s3;
	s0 =	sld [smem:$0x3FA7]  }
0x30: {  	s3 =	sld [smem:$0x3FAA]  }
0x31: {  	[smem:$0x3FB3] =	sst s10  }
0x32: {  	s10 =	sld [smem:$0x3FB1];
	_ =	sdelay $0x3  }
0x33: {  	p0 =	seq.s32 s10, $0x1;
	s10 =	sld [smem:$0x3FB3];
	_ =	sdelay $0x3  }
0x34: {  	[smem:$0x3FB3] =	sst s10  }
0x35: {  	s10 =	sld [smem:$0x3FB2];
	_ =	sdelay $0x3  }
0x36: {  	p1 =	seq.s32 s10, $0x1;
	s10 =	sld [smem:$0x3FB3];
	_ =	sdelay $0x3  }
0x37: {  	[smem:$0x3FB3] =	sst s10  }
0x38: {  	s10 =	sld [smem:$0x3FB4]  }
0x39: {  	_ = 	snop;
	(pc) =	sbr.ind lr, $3  }
0x3a: {  	_ = 	snop  }
0x3b: {  	_ = 	snop  }
0x3c: {  	p2 =	seq.s32 s10, $0x1;
	s10 =	sld [smem:$0x3FB3]  }
0x3d: {  	_ =	shalt  }
0x3e: {  	_ =	shalt  }
0x3f: {  	_ =	shalt  }
0x40: {  	_ =	shalt  }
0x41: {  	_ =	shalt  }
0x42: {  	_ =	shalt  }
0x43: {  	_ =	shalt  }
0x44: {  	_ =	shalt  }
0x45: {  	_ =	shalt  }
0x46: {  	_ =	shalt  }
0x47: {  	_ =	shalt  }
0x48: {  	_ =	shalt  }
0x49: {  	_ =	shalt  }
0x4a: {  	_ =	shalt  }
0x4b: {  	_ =	shalt  }
0x4c: {  	_ =	shalt  }
0x4d: {  	_ =	shalt  }
0x4e: {  	_ =	shalt  }
0x4f: {  	_ =	shalt  }
0x50: {  	_ =	shalt  }
0x51: {  	_ =	shalt  }
0x52: {  	_ =	shalt  }
0x53: {  	_ =	shalt  }
0x54: {  	_ =	shalt  }
0x55: {  	_ =	shalt  }
0x56: {  	_ =	shalt  }
0x57: {  	_ =	shalt  }
0x58: {  	_ =	shalt  }
0x59: {  	_ =	shalt  }
0x5a: {  	_ =	shalt  }
0x5b: {  	_ =	shalt  }
0x5c: {  	_ =	shalt  }
0x5d: {  	_ =	shalt  }
0x5e: {  	_ =	shalt  }
0x5f: {  	_ =	shalt  }
0x60: {  	_ =	shalt  }
0x61: {  	_ =	shalt  }
0x62: {  	_ =	shalt  }
0x63: {  	_ =	shalt  }
0x64: {  	_ =	shalt  }
0x65: {  	_ =	shalt  }
0x66: {  	_ =	shalt  }
0x67: {  	_ =	shalt  }
0x68: {  	_ =	shalt  }
0x69: {  	_ =	shalt  }
0x6a: {  	_ =	shalt  }
0x6b: {  	_ =	shalt  }
0x6c: {  	_ =	shalt  }
0x6d: {  	_ =	shalt  }
0x6e: {  	_ =	shalt  }
0x6f: {  	_ =	shalt  }
0x70: {  	_ =	shalt  }
0x71: {  	_ =	shalt  }
0x72: {  	_ =	shalt  }
0x73: {  	_ =	shalt  }
0x74: {  	_ =	shalt  }
0x75: {  	_ =	shalt  }
0x76: {  	_ =	shalt  }
0x77: {  	_ =	shalt  }
0x78: {  	_ =	shalt  }
0x79: {  	_ =	shalt  }
0x7a: {  	_ =	shalt  }
0x7b: {  	_ =	shalt  }
0x7c: {  	_ =	shalt  }
0x7d: {  	_ =	shalt  }
0x7e: {  	_ =	shalt  }
0x7f: {  	_ =	shalt  }
0x80: {  	_ =	shalt  }
0x81: {  	_ =	shalt  }
0x82: {  	_ =	shalt  }
0x83: {  	_ =	shalt  }
0x84: {  	_ =	shalt  }
0x85: {  	_ =	shalt  }
0x86: {  	_ =	shalt  }
0x87: {  	_ =	shalt  }
.Lfunc_end0:
.L_simem_size_0:
called_computation_lowered:
.L_overlay_start_0:
0x88: {  	s2 =	sld [smem:$0x3FD9]  }
0x89: {  	s3 =	sld [smem:$0x3FFE];
	_ =	sdelay $0x1  }
0x8a: {  	s1 =	srdreg.scid  }
0x8b: {  	s0 =	sand.u32 $0x1, s1  }
0x8c: {  	s14 =	sshll.u32 s0, $0xA;
	s2 =	sadd.s32 s3, s2  }
0x8d: {  	s2 =	sadd.s32 s2, s14  }
0x8e: {  	[smem:$0x3FBF] =	sst s2  }
0x8f: {  	_ = 	snop  }
0x90: {  	s2 =	sld [smem:$0x3FD0];
	_ =	sdelay $0x2  }
0x91: {  	s4 =	simm.s32 $0xA;
	s5 =	simm.s32 $0x10;
	s15 =	sld [smem:$0x3FC9]  }
0x92: {  	[smem:s5], [sflag:s4] =	dma.local [hbm:s2], $0x1  }
0x93: {  	_ =	swait.eq [sflag:s4], $0x1  }
0x94: {  	[sflag:s4] =	ssyncset.done $0x0  }
0x95: {  	[sflag:s4] =	ssyncadd.s32 $0xFFFFFFFF  }
0x96: {  	s16 =	sld [smem:$0x11];
	(tm) =	ssettm $0x1  }
0x97: {  	s17 =	sld [smem:$0x3FFB];
	_ =	sdelay $0x3  }
0x98: {  	_ =	strace s17  }
0x99: {  	s4 =	sld [smem:$0x3FFC];
	_ =	sdelay $0x3  }
0x9a: {  	_ =	strace s4  }
0x9b: {  	s4 =	sld [smem:$0x3FFD];
	_ =	sdelay $0x3  }
0x9c: {  	_ =	strace s4  }
0x9d: {  	_ =	strace $0x8FFFFFFF  }
0x9e: {  	s18 =	sld [smem:$0x3FDB];
	_ =	sdelay $0x1  }
0x9f: {  	s19 =	simm.s32 $_scs_section_size  }
0xa0: {  	s6 =	simm.s32 $_size__tile_overlayer_lowered;
	s7 =	simm.s32 $_tile_overlayer_lowered  }
0xa1: {  	s22 =	simm.s32 $0x1BFF;
	s21 =	sshll.u32 s7, $0x1;
	s4 =	sadd.s32 s19, s18  }
0xa2: {  	s8 =	simm.s32 $0x0;
	s20 =	sshll.u32 s6, $0x1;
	s6 =	sadd.s32 s21, s4  }
0xa3: {  	[timem:s8], [sflag:s22] =	dma.local [hbm:s6], s20  }
0xa4: {  	_ =	swait.ge [sflag:s22], s20  }
0xa5: {  	s5 =	ssub.s32 $0x0, s20;
	[sflag:s22] =	ssyncset.done $0x0  }
0xa6: {  	[sflag:s22] =	ssyncadd.s32 s5;
	_ =	sdelay $0x1  }
0xa7: {  	s23 =	simm.s32 $0x1B8B  }
0xa8: {  	_ =	swait.ge [sflag:s23], $0x1  }
0xa9: {  	[sflag:s23] =	ssyncset.done $0x0  }
0xaa: {  	s25 =	simm.s32 $0x1B8E;
	s24 =	sld [smem:$0x3FFE];
	[sflag:s23] =	ssyncadd.s32 $0xFFFFFFFF  }
0xab: {  	s26 =	simm.s32 $execute0_lowered;
	[smem:$0x3FD2] =	sst s25  }
0xac: {  	s6 =	sshll.u32 s26, $0x1;
	_ =	strace $0x80000046;
	[dreg:$0x1] =	wrdreg $0xFFFFFFFF  }
0xad: {  	s28 =	simm.s32 $_size_execute0_lowered;
	s4 =	sadd.s32 s4, s6;
	[dreg:$0x0] =	wrdreg $0x0  }
0xae: {  	s6 =	sshll.u32 s28, $0x1;
	[dreg:$0x2] =	wrdreg s4  }
0xaf: {  	[dreg:$0x3] =	wrdreg s6  }
0xb0: {  	[dreg:$0x4] =	wrdreg $0xC0  }
0xb1: {  	_ =	task [dreg:s8], $0x5FFFF  }
0xb2: {  	[dreg:$0x1] =	wrdreg $0xFFFFFFFF  }
0xb3: {  	[dreg:$0x0] =	wrdreg $0x60  }
0xb4: {  	[dreg:$0x2] =	wrdreg s15  }
0xb5: {  	[dreg:$0x3] =	wrdreg s16  }
0xb6: {  	[dreg:$0x4] =	wrdreg s24  }
0xb7: {  	[dreg:$0x5] =	wrdreg $0x9  }
0xb8: {  	_ =	task.clear_ibuf [dreg:s8], $0x6FFFF;
	_ =	strace $0x90000046  }
0xb9: {  	s29 =	simm.s32 $0x9;
	_ =	strace $0x80000048  }
0xba: {  	_ =	swait.ge [sflag:s29], $0x1  }
0xbb: {  	[sflag:s29] =	ssyncadd.s32 $0xFFFFFFFF  }
0xbc: {  	_ =	strace $0x90000048  }
0xbd: {  	_ =	sfence  }
0xbe: {  	s30 =	sld [smem:$0x0];
	_ =	sdelay $0x2  }
0xbf: {  	s31 =	sshll.u32 s1, $0xD;
	s1 =	sshrl.u32 s1, $0x2  }
0xc0: {  	s3 =	sand.u32 $0x4000, s31;
	s1 =	sadd.s32 s1, s30  }
0xc1: {  	s0 =	sor.u32 s3, s0;
	s1 =	sshll.u32 s1, $0x11  }
0xc2: {  	s0 =	sor.u32 s1, s0  }
0xc3: {  	s0 =	sadd.s32 $0x8F2B, s0  }
0xc4: {  	[sflag:s0] =	ssyncadd.remote.s32 $0x1  }
0xc5: {  	_ =	sfence.sel $0xFFFF  }
0xc6: {  	[dreg:$0x0] =	wrdreg $0xFFFFFFFF;
	(pc) =	sbr.abs _section_cstart, $3  }
0xc7: {  	[dreg:$0x1] =	wrdreg $0xFFFFFFFF  }
0xc8: {  	_ =	task.clear_ibuf [dreg:s8], $0x2FFFF;
	_ =	strace $0x9FFFFFFF  }
0xc9: {  	(tm) =	ssettm $0x7FFFFFFF  }
tec
execute0_lowered:
.L_overlay_start_1:
0x0: {  	(tag) =	ssettag $0x1  }
0x1: {  	s0 =	rddreg [dreg:$0x0]  }
0x2: {  	s1 =	rddreg [dreg:$0x1];
	s2 =	srdreg.scid  }
0x3: {  	s12 =	stileid.u32;
	s4 =	rddreg [dreg:$0x2];
	s15 =	simm.s32 $0x800  }
0x4: {  	s16 =	simm.s32 $0x4800;
	s17 =	simm.s32 $0x1;
	s18 =	simm.s32 $0x1000  }
0x5: {  	s19 =	simm.s32 $0x1800;
	s20 =	simm.s32 $0x2000;
	s21 =	simm.s32 $0x2800  }
0x6: {  	s28 =	simm.s32 $0x5800;
	s29 =	simm.s32 $0x6000;
	s30 =	simm.s32 $0x6800  }
0x7: {  	s31 =	simm.s32 $0x7000;
	s14 =	simm.s32 $0x3;
	s5 =	sand.u32 $0x1, s2  }
0x8: {  	s3 =	sshll.u32 s12, $0x1;
	s2 =	simm.s32 $0x0;
	s24 =	sshll.u32 s12, $0xF  }
0x9: {  	s6 =	sor.u32 s5, s3;
	[smem:$0x7FF] =	sst s2;
	s9 =	ssub.s32 $0x2, s5  }
0xa: {  	s3 =	sadd.s32 $0x23C00, s4;
	s26 =	sshll.u32 s5, $0xE;
	s7 =	sshll.u32 s6, $0x7  }
0xb: {  	_ =	strace $0x80000047;
	s10 =	sshrl.u32 s9, $0x1;
	s6 =	sshll.u32 s6, $0xE  }
0xc: {  	s8 =	sadd.s32 s7, s4;
	s11 =	ssub.s32 s9, s10;
	s1 =	sadd.s32 s1, s7  }
0xd: {  	s22 =	sadd.s32 s0, s6;
	s9 =	sadd.s32 $0x23E00, s4;
	s10 =	sadd.s32 $0x23F00, s4  }
0xe: {  	s0 =	sadd.s32 s24, s0;
	s24 =	simm.s32 $0x4000;
	[dreg:$0x4] =	wrdreg s1  }
0xf: {  	s6 =	simm.s32 $0x0;
	s23 =	sadd.s32 $0x22C00, s8;
	[dreg:$0x5] =	wrdreg s22  }
.Ltmp0:
0x10: {  	s1 =	sadd.s32 $0x800, s22;
	s8 =	sadd.s32 $0x23D00, s4;
	(pc) =	sbr.rel .LBB2_1-.Ltmp0, $4  }
0x11: {  	s25 =	smax.u32 s11, $0x1;
	s12 =	sadd.s32 s26, s0;
	[dreg:$0x6] =	wrdreg s23  }
0x12: {  	v2 =	vlaneseq.u32;
	s22 =	simm.s32 $0x3000;
	s26 =	simm.s32 $0x5000;
	[dreg:$0x7] =	wrdreg s1  }
0x13: {  	vm0 =	vmmov $0xffff;
	v1 =	vshrl.u32 v2, $0x3;
	s0 =	simm.s32 $0x8000;
	s4 =	simm.s32 $0x4;
	[dreg:$0x8] =	wrdreg s25  }
0x14: {  	v0 =	vand.u32 $0x7, v2;
	v2 =	vor.u32 $0x8, v2;
	v1 =	vmul.u32 $0x8, v1;
	s23 =	simm.s32 $0x3800;
	s25 =	simm.s32 $0x2;
	s1 =	simm.s32 $0x7800  }
.LBB2_3:
0x15: {  	_ =	swait.ge [sflag:s14], $0x4000  }
0x16: {  	[sflag:s14] =	ssyncset.done $0x0  }
0x17: {  	[sflag:s14] =	ssyncadd.s32 $0xFFFFC000  }
0x18: {  	_ =	swait.ge [sflag:s14], $0x4000  }
0x19: {  	[sflag:s14] =	ssyncset.done $0x0  }
0x1a: {  	[sflag:s14] =	ssyncadd.s32 $0xFFFFC000  }
0x1b: {  	_ =	swait.ge [sflag:s4], $0x4000  }
0x1c: {  	[sflag:s4] =	ssyncset.done $0x0  }
0x1d: {  	[sflag:s4] =	ssyncadd.s32 $0xFFFFC000  }
0x1e: {  	_ =	swait.ge [sflag:s4], $0x4000  }
0x1f: {  	[sflag:s4] =	ssyncset.done $0x0  }
0x20: {  	[sflag:s4] =	ssyncadd.s32 $0xFFFFC000  }
.LBB2_5:
0x21: {  	s6 =	rddreg [dreg:$0x9]  }
0x22: {  	s5 =	rddreg [dreg:$0x8];
	s6 =	sadd.s32 $0x1, s6  }
0x23: {  	p0 =	sne.s32 s6, s5  }
.Ltmp1:
0x24: {  	_ = 	snop;
	(pc) =	sbr.rel @!p0 .LBB2_6-.Ltmp1, $1  }
0x25: {  	_ =	sdelay $0x3  }
.LBB2_1:
0x26: {  	[dreg:$0x9] =	wrdreg s6  }
0x27: {  	s5 =	rddreg [dreg:$0x4];
	s11 =	simm.s32 $0x5  }
0x28: {  	[tilespmem:s2], [sflag:$0x5] =	stream.linear.gather [hbm4b:s5+s2], $0x400, $0x38;
	[tilespmem:$0x8800] =	vst v63  }
0x29: {  	_ =	swait.ge [sflag:s11], $0x400  }
0x2a: {  	[sflag:s11] =	ssyncset.done $0x0  }
0x2b: {  	s7 =	simm.s32 $0x400;
	s13 =	rddreg [dreg:$0x6];
	[sflag:s11] =	ssyncadd.s32 $0xFFFFFC00  }
0x2c: {  	[tilespmem:s7], [sflag:$0x5] =	stream.linear.gather [hbm4b:s13+s2], $0x400, $0x38;
	[tilespmem:$0x8800] =	vst v63  }
0x2d: {  	_ =	swait.ge [sflag:s11], $0x400  }
0x2e: {  	[sflag:s11] =	ssyncset.done $0x0  }
0x2f: {  	s5 =	simm.s32 $0x480;
	[sflag:s11] =	ssyncadd.s32 $0xFFFFFC00;
	s11 =	rddreg [dreg:$0x5]  }
0x30: {  	[tilespmem:s15], [sflag:$0x1] =	stream.linear.gather [hbm4b:s11+s2], $0x4000, $0x38;
	[tilespmem:$0x8800] =	vst v63  }
0x31: {  	s7 =	simm.s32 $0x80;
	s13 =	rddreg [dreg:$0x7];
	s11 =	simm.s32 $0x0  }
0x32: {  	[tilespmem:s16], [sflag:$0x2] =	stream.linear.gather [hbm4b:s13+s2], $0x4000, $0x38;
	[tilespmem:$0x8800] =	vst v63  }
.LBB2_2:
0x33: {  	_ =	swait.ge [sflag:s17], $0x4000  }
0x34: {  	[sflag:s17] =	ssyncset.done $0x0  }
0x35: {  	[sflag:s17] =	ssyncadd.s32 $0xFFFFC000  }
0x36: {  	v3 =	vld [tilespmem:s7+$0xFFFFFF80];
	_ =	sdelay $0x4  }
0x37: {  	v4 =	vshll.u32 v3, $0x3  }
0x38: {  	v3 =	vand.u32 $0x7, v3;
	v4 =	vand.u32 $0xFFFFFFC0, v4  }
0x39: {  	v3 =	vor.u32 v3, v4  }
0x3a: {  	v4 =	vperm.xlane v3, v0;
	_ =	sdelay $0x1  }
0x3b: {  	v4 =	vadd.s32 v1, v4;
	_ =	sdelay $0x4  }
0x3c: {  	[hbm4b:s3+s2] =	stream.indirect_vreg.scatter [tilespmem:s15], [sflag:$0x3], $0x80, v4, vm0, $0xb8;
	[tilespmem:$0x8800] =	vst v63  }
0x3d: {  	v3 =	vperm.xlane v3, v2  }
0x3e: {  	[hbm4b:s8+s2] =	stream.indirect_vreg.scatter [tilespmem:s18], [sflag:$0x3], $0x80, v4, vm0, $0xb8;
	[tilespmem:$0x8800] =	vst v63  }
0x3f: {  	v3 =	vadd.s32 v1, v3  }
0x40: {  	[hbm4b:s9+s2] =	stream.indirect_vreg.scatter [tilespmem:s19], [sflag:$0x3], $0x80, v4, vm0, $0xb8;
	[tilespmem:$0x8800] =	vst v63  }
0x41: {  	_ = 	snop  }
0x42: {  	[hbm4b:s10+s2] =	stream.indirect_vreg.scatter [tilespmem:s20], [sflag:$0x3], $0x80, v4, vm0, $0xb8;
	[tilespmem:$0x8800] =	vst v63  }
0x43: {  	_ = 	snop  }
0x44: {  	[hbm4b:s3+s2] =	stream.indirect_vreg.scatter [tilespmem:s21], [sflag:$0x3], $0x80, v3, vm0, $0xb8;
	[tilespmem:$0x8800] =	vst v63  }
0x45: {  	_ = 	snop  }
0x46: {  	[hbm4b:s8+s2] =	stream.indirect_vreg.scatter [tilespmem:s22], [sflag:$0x3], $0x80, v3, vm0, $0xb8;
	[tilespmem:$0x8800] =	vst v63  }
0x47: {  	_ = 	snop  }
0x48: {  	[hbm4b:s9+s2] =	stream.indirect_vreg.scatter [tilespmem:s23], [sflag:$0x3], $0x80, v3, vm0, $0xb8;
	[tilespmem:$0x8800] =	vst v63  }
0x49: {  	_ = 	snop  }
0x4a: {  	[hbm4b:s10+s2] =	stream.indirect_vreg.scatter [tilespmem:s24], [sflag:$0x3], $0x80, v3, vm0, $0xb8;
	[tilespmem:$0x8800] =	vst v63  }
0x4b: {  	v3 =	vld [tilespmem:s5+$0xFFFFFF80];
	_ =	sdelay $0x4  }
0x4c: {  	v61 =	vshll.u32 v3, $0x3  }
0x4d: {  	v3 =	vand.u32 $0x7, v3;
	v4 =	vand.u32 $0xFFFFFFC0, v61  }
0x4e: {  	v3 =	vor.u32 v3, v4  }
0x4f: {  	v4 =	vperm.xlane v3, v0;
	_ =	sdelay $0x1  }
0x50: {  	v4 =	vadd.s32 v1, v4;
	_ =	sdelay $0x4  }
0x51: {  	[hbm4b:s3+s2] =	stream.indirect_vreg.scatter [tilespmem:s15], [sflag:$0x3], $0x80, v4, vm0, $0xb8;
	[tilespmem:$0x8800] =	vst v63  }
0x52: {  	v3 =	vperm.xlane v3, v2  }
0x53: {  	[hbm4b:s8+s2] =	stream.indirect_vreg.scatter [tilespmem:s18], [sflag:$0x3], $0x80, v4, vm0, $0xb8;
	[tilespmem:$0x8800] =	vst v63  }
0x54: {  	v3 =	vadd.s32 v1, v3  }
0x55: {  	[hbm4b:s9+s2] =	stream.indirect_vreg.scatter [tilespmem:s19], [sflag:$0x3], $0x80, v4, vm0, $0xb8;
	[tilespmem:$0x8800] =	vst v63  }
0x56: {  	_ = 	snop  }
0x57: {  	[hbm4b:s10+s2] =	stream.indirect_vreg.scatter [tilespmem:s20], [sflag:$0x3], $0x80, v4, vm0, $0xb8;
	[tilespmem:$0x8800] =	vst v63  }
0x58: {  	_ = 	snop  }
0x59: {  	[hbm4b:s3+s2] =	stream.indirect_vreg.scatter [tilespmem:s21], [sflag:$0x3], $0x80, v3, vm0, $0xb8;
	[tilespmem:$0x8800] =	vst v63  }
0x5a: {  	_ = 	snop  }
0x5b: {  	[hbm4b:s8+s2] =	stream.indirect_vreg.scatter [tilespmem:s22], [sflag:$0x3], $0x80, v3, vm0, $0xb8;
	[tilespmem:$0x8800] =	vst v63  }
0x5c: {  	_ = 	snop  }
0x5d: {  	[hbm4b:s9+s2] =	stream.indirect_vreg.scatter [tilespmem:s23], [sflag:$0x3], $0x80, v3, vm0, $0xb8;
	[tilespmem:$0x8800] =	vst v63  }
0x5e: {  	_ = 	snop  }
0x5f: {  	[hbm4b:s10+s2] =	stream.indirect_vreg.scatter [tilespmem:s24], [sflag:$0x3], $0x80, v3, vm0, $0xb8;
	[tilespmem:$0x8800] =	vst v63  }
0x60: {  	_ =	swait.ge [sflag:s25], $0x4000  }
0x61: {  	[sflag:s25] =	ssyncset.done $0x0  }
0x62: {  	[sflag:s25] =	ssyncadd.s32 $0xFFFFC000  }
0x63: {  	v3 =	vld [tilespmem:s7+$0x0];
	_ =	sdelay $0x4  }
0x64: {  	v62 =	vshll.u32 v3, $0x3  }
0x65: {  	v3 =	vand.u32 $0x7, v3;
	v4 =	vand.u32 $0xFFFFFFC0, v62  }
0x66: {  	v3 =	vor.u32 v3, v4  }
0x67: {  	v4 =	vperm.xlane v3, v0;
	_ =	sdelay $0x1  }
0x68: {  	v4 =	vadd.s32 v1, v4;
	_ =	sdelay $0x4  }
0x69: {  	[hbm4b:s3+s2] =	stream.indirect_vreg.scatter [tilespmem:s16], [sflag:$0x4], $0x80, v4, vm0, $0xb8;
	[tilespmem:$0x8800] =	vst v63  }
0x6a: {  	v3 =	vperm.xlane v3, v2  }
0x6b: {  	[hbm4b:s8+s2] =	stream.indirect_vreg.scatter [tilespmem:s26], [sflag:$0x4], $0x80, v4, vm0, $0xb8;
	[tilespmem:$0x8800] =	vst v63  }
0x6c: {  	v3 =	vadd.s32 v1, v3  }
0x6d: {  	[hbm4b:s9+s2] =	stream.indirect_vreg.scatter [tilespmem:s28], [sflag:$0x4], $0x80, v4, vm0, $0xb8;
	[tilespmem:$0x8800] =	vst v63  }
0x6e: {  	_ = 	snop  }
0x6f: {  	[hbm4b:s10+s2] =	stream.indirect_vreg.scatter [tilespmem:s29], [sflag:$0x4], $0x80, v4, vm0, $0xb8;
	[tilespmem:$0x8800] =	vst v63  }
0x70: {  	_ = 	snop  }
0x71: {  	[hbm4b:s3+s2] =	stream.indirect_vreg.scatter [tilespmem:s30], [sflag:$0x4], $0x80, v3, vm0, $0xb8;
	[tilespmem:$0x8800] =	vst v63  }
0x72: {  	_ = 	snop  }
0x73: {  	[hbm4b:s8+s2] =	stream.indirect_vreg.scatter [tilespmem:s31], [sflag:$0x4], $0x80, v3, vm0, $0xb8;
	[tilespmem:$0x8800] =	vst v63  }
0x74: {  	_ = 	snop  }
0x75: {  	[hbm4b:s9+s2] =	stream.indirect_vreg.scatter [tilespmem:s1], [sflag:$0x4], $0x80, v3, vm0, $0xb8;
	[tilespmem:$0x8800] =	vst v63  }
0x76: {  	_ = 	snop  }
0x77: {  	[hbm4b:s10+s2] =	stream.indirect_vreg.scatter [tilespmem:s0], [sflag:$0x4], $0x80, v3, vm0, $0xb8;
	[tilespmem:$0x8800] =	vst v63  }
0x78: {  	v3 =	vld [tilespmem:s5+$0x0];
	_ =	sdelay $0x4  }
0x79: {  	v63 =	vshll.u32 v3, $0x3  }
0x7a: {  	v3 =	vand.u32 $0x7, v3;
	v4 =	vand.u32 $0xFFFFFFC0, v63  }
0x7b: {  	v3 =	vor.u32 v3, v4  }
0x7c: {  	v4 =	vperm.xlane v3, v0;
	_ =	sdelay $0x1  }
0x7d: {  	v4 =	vadd.s32 v1, v4;
	_ =	sdelay $0x4  }
0x7e: {  	[hbm4b:s3+s2] =	stream.indirect_vreg.scatter [tilespmem:s16], [sflag:$0x4], $0x80, v4, vm0, $0xb8;
	[tilespmem:$0x8800] =	vst v63  }
0x7f: {  	v3 =	vperm.xlane v3, v2  }
0x80: {  	[hbm4b:s8+s2] =	stream.indirect_vreg.scatter [tilespmem:s26], [sflag:$0x4], $0x80, v4, vm0, $0xb8;
	[tilespmem:$0x8800] =	vst v63  }
0x81: {  	v3 =	vadd.s32 v1, v3  }
0x82: {  	[hbm4b:s9+s2] =	stream.indirect_vreg.scatter [tilespmem:s28], [sflag:$0x4], $0x80, v4, vm0, $0xb8;
	[tilespmem:$0x8800] =	vst v63  }
0x83: {  	_ = 	snop  }
0x84: {  	[hbm4b:s10+s2] =	stream.indirect_vreg.scatter [tilespmem:s29], [sflag:$0x4], $0x80, v4, vm0, $0xb8;
	[tilespmem:$0x8800] =	vst v63  }
0x85: {  	_ = 	snop  }
0x86: {  	[hbm4b:s3+s2] =	stream.indirect_vreg.scatter [tilespmem:s30], [sflag:$0x4], $0x80, v3, vm0, $0xb8;
	[tilespmem:$0x8800] =	vst v63  }
0x87: {  	p0 =	sne.s32 s11, $0x3000  }
0x88: {  	[hbm4b:s8+s2] =	stream.indirect_vreg.scatter [tilespmem:s31], [sflag:$0x4], $0x80, v3, vm0, $0xb8;
	[tilespmem:$0x8800] =	vst v63  }
.Ltmp2:
0x89: {  	_ = 	snop;
	(pc) =	sbr.rel @!p0 .LBB2_3-.Ltmp2, $4  }
0x8a: {  	_ = 	snop  }
0x8b: {  	[hbm4b:s9+s2] =	stream.indirect_vreg.scatter [tilespmem:s1], [sflag:$0x4], $0x80, v3, vm0, $0xb8;
	[tilespmem:$0x8800] =	vst v63  }
0x8c: {  	_ = 	snop  }
0x8d: {  	[hbm4b:s10+s2] =	stream.indirect_vreg.scatter [tilespmem:s0], [sflag:$0x4], $0x80, v3, vm0, $0xb8;
	[tilespmem:$0x8800] =	vst v63  }
0x8e: {  	_ =	swait.ge [sflag:s14], $0x4000  }
0x8f: {  	[sflag:s14] =	ssyncset.done $0x0  }
0x90: {  	[sflag:s14] =	ssyncadd.s32 $0xFFFFC000  }
0x91: {  	_ =	swait.ge [sflag:s14], $0x4000  }
0x92: {  	s13 =	sadd.s32 s11, s12;
	[sflag:s14] =	ssyncset.done $0x0  }
0x93: {  	s6 =	sadd.s32 $0x1000, s13;
	[sflag:s14] =	ssyncadd.s32 $0xFFFFC000  }
0x94: {  	[tilespmem:s15], [sflag:$0x1] =	stream.linear.gather [hbm4b:s6+s2], $0x4000, $0x38;
	[tilespmem:$0x8800] =	vst v63  }
0x95: {  	s11 =	sadd.s32 $0x1000, s11;
	_ =	swait.ge [sflag:s4], $0x4000  }
0x96: {  	p0 =	sne.s32 s11, $0x4000;
	[sflag:s4] =	ssyncset.done $0x0  }
.Ltmp3:
0x97: {  	[sflag:s4] =	ssyncadd.s32 $0xFFFFC000;
	(pc) =	sbr.rel @p0 .LBB2_2-.Ltmp3, $4  }
.Ltmp4:
0x98: {  	_ =	swait.ge [sflag:s4], $0x4000;
	(pc) =	sbr.rel @!p0 .LBB2_5-.Ltmp4, $4  }
0x99: {  	s7 =	sadd.s32 $0x100, s7;
	[sflag:s4] =	ssyncset.done $0x0  }
0x9a: {  	s5 =	sadd.s32 $0x100, s5;
	s13 =	sadd.s32 $0x1800, s13;
	[sflag:s4] =	ssyncadd.s32 $0xFFFFC000  }
0x9b: {  	[tilespmem:s16], [sflag:$0x2] =	stream.linear.gather [hbm4b:s13+s2], $0x4000, $0x38;
	[tilespmem:$0x8800] =	vst v63  }
0x9c: {  	_ = 	snop  }
.LBB2_6:
0x9d: {  	_ =	sfence.sel $0x180000  }
0x9e: {  	[bflag:$0x0] =	sbarrier.arrive $0xFFFF  }
0x9f: {  	_ =	strace $0x90000047  }
0xa0: {  	s0 =	stileid.u32;
	[bflag:$0x2] =	sbarrier.arrive $0xFFFF  }
0xa1: {  	p0 =	sne.s32 s0, $0x0;
	s0 =	rddreg [dreg:$0x3]  }
0xa2: {  	s0 =	sadd.s32 @!p0 $0x100000, s0  }
0xa3: {  	[sflag:s0] =	ssyncadd.tile.s32 @!p0 $0x1;
	_ =	shalt  }
.Lfunc_end2:
_tile_overlayer_lowered:
.L_overlay_start_2:
0xa4: {  	(tag) =	ssettag $0x2  }
0xa5: {  	s0 =	rddreg [dreg:$0x0];
	s2 =	stileid.u32  }
0xa6: {  	s1 =	rddreg [dreg:$0x1];
	p0 =	sne.s32 s2, $0x0  }
0xa7: {  	s3 =	rddreg [dreg:$0x2];
	[bflag:$0x3] =	sbarrier.arrive $0xFFFF;
	s2 =	simm.s32 @!p0 $0x1C05  }
0xa8: {  	[timem:s3], [sflag:s2] =	dma.local @!p0 [hbm:s0], s1  }
0xa9: {  	s0 =	simm.s32 @!p0 $0x5  }
0xaa: {  	_ =	swait.ge @!p0 [sflag:s0], s1  }
0xab: {  	s1 =	ssub.s32 @!p0 $0x0, s1;
	[sflag:s0] =	ssyncset.done @!p0 $0x0  }
0xac: {  	[sflag:s0] =	ssyncadd.s32 @!p0 s1  }
0xad: {  	[bflag:$0x3] =	sbarrier.arrive $0xFFFF  }
0xae: {  	_ =	shalt  }

</sc_bundles>
